<compile_context>
chip_gen: v7x
topology: tpu7x:2x2x1
jax: 0.10.2.dev20260603
libtpu: 0.0.44.dev20260713+nightly
codegen_flags: <defaults>
</compile_context>

<pallas_src>
import functools

import jax
import jax.numpy as jnp
import numpy as np
from jax import lax
from jax.experimental import pallas as pl
from jax.experimental.pallas import tpu as pltpu
from jax.experimental.pallas import tpu_sc as plsc

BINS = 100
B = 16384
H = 64
ROWSTRIDE = 128
HROWS = 104
DUMP = BINS * ROWSTRIDE

NUM_WORKERS = 32
CHUNK = B // NUM_WORKERS
LANES = 16

NBLK = 4
BLK = B // NBLK


def _lerp_edge(kf, lo, hi):
    t = kf / np.float32(BINS)
    e = lo * (1.0 - t) + hi * t
    return jnp.where(kf == np.float32(BINS), hi, e)


def _bin_of(x, lo, hi, scale):
    u = (x - lo) * scale
    k = jnp.clip(jnp.floor(u), 0.0, np.float32(BINS - 1))
    for _ in range(2):
        down = (x < _lerp_edge(k, lo, hi)).astype(jnp.float32)
        up = (x >= _lerp_edge(k + 1.0, lo, hi)).astype(jnp.float32)
        k = jnp.clip(k + up - down, -1.0, np.float32(BINS))
    return jnp.where(jnp.isnan(u), np.float32(BINS), k)


def _stage1_kernel(e1_ref, e2_ref, d_ref, c_ref, dot_s, n1_s, n2_s):
    i = pl.program_id(0)
    e1 = e1_ref[...]
    e2 = e2_ref[...]
    ones = jnp.full((1, H), 1.0, jnp.float32)
    dn = (((1,), (0,)), ((), ()))
    mm = functools.partial(
        lax.dot_general, dimension_numbers=dn,
        preferred_element_type=jnp.float32,
        precision=lax.Precision.HIGHEST)
    dot = mm(ones, e1 * e2)
    n1 = mm(ones, e1 * e1)
    n2 = mm(ones, e2 * e2)
    for ib in range(NBLK):
        @pl.when(i == ib)
        def _(ib=ib):
            dot_s[:, ib * BLK:(ib + 1) * BLK] = dot
            n1_s[:, ib * BLK:(ib + 1) * BLK] = n1
            n2_s[:, ib * BLK:(ib + 1) * BLK] = n2

    @pl.when(i == NBLK - 1)
    def _():
        d = d_ref[...].reshape(1, B)
        eps = 1e-12
        den = jnp.maximum(jnp.sqrt(n1_s[...]), eps) * jnp.maximum(
            jnp.sqrt(n2_s[...]), eps)
        sim = dot_s[...] / den

        dmin = jnp.min(d)
        dmax = jnp.max(d)
        si = _bin_of(sim, np.float32(-1.0), np.float32(1.0),
                     np.float32(BINS / 2.0))
        di = _bin_of(d, dmin, dmax, np.float32(BINS) / (dmax - dmin))
        valid = (si >= 0.0) & (si < np.float32(BINS)) & \
                (di >= 0.0) & (di < np.float32(BINS))
        c = jnp.where(
            valid,
            si.astype(jnp.int32) * ROWSTRIDE + di.astype(jnp.int32),
            DUMP)
        c_ref[...] = c.reshape(B)


def _mi_kernel(h_ref, o_ref):
    counts = jnp.sum(h_ref[...], axis=0)
    rows = lax.broadcasted_iota(jnp.int32, (HROWS, ROWSTRIDE), 0)
    cols = lax.broadcasted_iota(jnp.int32, (HROWS, ROWSTRIDE), 1)
    rmask = rows < BINS
    cmask = cols < BINS
    counts = jnp.where(rmask & cmask, counts, 0.0)

    total = jnp.sum(counts)
    jp = counts / total
    smarg = jnp.sum(jp, axis=1, keepdims=True)
    dmarg = jnp.sum(jp, axis=0, keepdims=True)
    eps = 1e-10
    log_s = jnp.log(smarg + eps)
    log_d = jnp.log(dmarg + eps)
    terms = jp * (jnp.log(jp + eps) - log_s - log_d)
    mi = jnp.sum(terms)
    n_s = -jnp.sum(jnp.where(rows[:, :1] < BINS, log_s, 0.0))
    n_d = -jnp.sum(jnp.where(cols[:1, :] < BINS, log_d, 0.0))
    o_ref[...] = (mi / jnp.minimum(n_s, n_d)).reshape(1, 1)


def _sc_hist_kernel(c_hbm, z_hbm, out_hbm, idx_v, hist_v):
    wid = lax.axis_index("s") * 2 + lax.axis_index("c")
    base = wid * CHUNK
    pltpu.sync_copy(z_hbm, hist_v)
    pltpu.sync_copy(c_hbm.at[pl.ds(base, CHUNK)], idx_v)
    for j in range(CHUNK // LANES):
        cvec = idx_v[pl.ds(j * LANES, LANES)]
        cnts, last = plsc.scan_count(cvec)
        rows = lax.shift_right_logical(cvec, 7)
        colz = lax.bitwise_and(cvec, ROWSTRIDE - 1)
        plsc.addupdate_scatter(
            hist_v, [rows, colz], cnts.astype(jnp.float32), mask=last)
    pltpu.sync_copy(hist_v, out_hbm.at[wid])


@functools.cache
def _sc_hist():
    return functools.partial(
        pl.kernel,
        out_type=jax.ShapeDtypeStruct((NUM_WORKERS, HROWS, ROWSTRIDE),
                                      jnp.float32),
        mesh=plsc.VectorSubcoreMesh(core_axis_name="c", subcore_axis_name="s"),
        scratch_types=[
            pltpu.VMEM((CHUNK,), jnp.int32),
            pltpu.VMEM((HROWS, ROWSTRIDE), jnp.float32),
        ],
        compiler_params=pltpu.CompilerParams(needs_layout_passes=False),
    )(_sc_hist_kernel)


def kernel(emb1, emb2, distances):
    c = pl.pallas_call(
        _stage1_kernel,
        grid=(NBLK,),
        in_specs=[
            pl.BlockSpec((H, BLK), lambda i: (0, i)),
            pl.BlockSpec((H, BLK), lambda i: (0, i)),
            pl.BlockSpec((B,), lambda i: (0,)),
        ],
        out_specs=pl.BlockSpec((B,), lambda i: (0,)),
        out_shape=jax.ShapeDtypeStruct((B,), jnp.int32),
        scratch_shapes=[
            pltpu.VMEM((1, B), jnp.float32),
            pltpu.VMEM((1, B), jnp.float32),
            pltpu.VMEM((1, B), jnp.float32),
        ],
    )(emb1.T, emb2.T, distances)

    zeros = jnp.asarray(np.zeros((HROWS, ROWSTRIDE), np.float32))
    hists = _sc_hist()(c, zeros)

    out = pl.pallas_call(
        _mi_kernel,
        out_shape=jax.ShapeDtypeStruct((1, 1), jnp.float32),
    )(hists)
    return out[0, 0]

# --- scband reference (transcript-rebuilt; emitter-appended) ---
"""Pipeline reference for scband-mutual-information-loss-33251636806046 (READ-ONLY COPY).

The authoritative reference and input builder live on the scoring server;
editing this copy changes nothing except your own understanding.
"""

import jax, jax.numpy as jnp
import numpy as np

BINS = 100

def setup_inputs(seed: int = 0) -> dict:
    key = jax.random.key(seed)
    k1, k2, k3 = jax.random.split(key, 3)
    emb1 = jax.random.normal(k1, (16384, 64), dtype=jnp.float32)
    emb2 = jax.random.normal(k2, (16384, 64), dtype=jnp.float32)
    distances = jax.random.uniform(k3, (16384,), dtype=jnp.float32)
    return {"emb1": emb1, "emb2": emb2, "distances": distances}

def _l2_normalize(x, eps=1e-12):
    # matches torch.nn.functional.normalize(p=2, dim=1)
    n = jnp.linalg.norm(x, ord=2, axis=1, keepdims=True)
    return x / jnp.maximum(n, eps)

def reference(emb1, emb2, distances):
    bins = BINS
    # emb inputs are (B, H); squeeze(-1) in the original is a no-op for H != 1
    e1 = _l2_normalize(emb1)
    e2 = _l2_normalize(emb2)
    similarity = jnp.sum(e1 * e2, axis=1)  # (B,)

    sim_bins = jnp.linspace(-1.0, 1.0, bins + 1)
    dist_bins = jnp.linspace(distances.min(), distances.max(), bins + 1)

    # joint_counts[i, j] = sum_n [sim in bin i] & [dist in bin j]
    # vectorized version of the original double loop (same math)
    sim_mask = (similarity[None, :] >= sim_bins[:-1, None]) & (similarity[None, :] < sim_bins[1:, None])   # (bins, B)
    dist_mask = (distances[None, :] >= dist_bins[:-1, None]) & (distances[None, :] < dist_bins[1:, None])  # (bins, B)
    joint_counts = sim_mask.astype(jnp.float32) @ dist_mask.astype(jnp.float32).T  # (bins, bins)

    joint_prob = joint_counts / joint_counts.sum()
    sim_marginal = joint_prob.sum(axis=1)
    dist_marginal = joint_prob.sum(axis=0)
    eps = 1e-10
    mi = joint_prob * (jnp.log(joint_prob + eps)
                       - jnp.log(sim_marginal[:, None] + eps)
                       - jnp.log(dist_marginal[None, :] + eps))
    mi = mi.sum()
    mi = mi / jnp.minimum(-jnp.log(sim_marginal + eps).sum(),
                          -jnp.log(dist_marginal + eps).sum())
    # neg_coor=False -> return mi
    return mi

if __name__ == "__main__":
    import jax
    _d = setup_inputs()
    print(jax.jit(kernel)(*tuple(_d.values())))

</pallas_src>

<mosaic_0001>
#map = affine_map<(d0, d1) -> (0)>
#map1 = affine_map<(d0, d1) -> (0, 0)>
#map2 = affine_map<(d0, d1) -> (0, 0, 0)>
module attributes {stable_mosaic.version = 14 : i64} {
  func.func @_sc_hist_kernel(%arg0: i32, %arg1: i32, %arg2: memref<16384xi32, #tpu.memory_space<hbm>>, %arg3: memref<104x128xf32, #tpu.memory_space<hbm>>, %arg4: memref<32x104x128xf32, #tpu.memory_space<hbm>>, %arg5: memref<512xi32, #tpu.memory_space<vmem>>, %arg6: memref<104x128xf32, #tpu.memory_space<vmem>>) attributes {dimension_semantics = [#tpu.dimension_semantics<core_parallel>, #tpu.dimension_semantics<subcore_parallel>], iteration_bounds = array<i64: 2, 16>, scalar_prefetch = 0 : i64, scratch_operands = 2 : i64, tpu.core_type = #tpu.core_type<sc_vector_subcore>, window_params = [{transform_indices = #map}, {transform_indices = #map1}, {transform_indices = #map2}]} {
    %mul3A = arith.constant 2 : i32
    %mul3A_0 = arith.muli %arg1, %mul3A : i32
    %add3A = arith.addi %mul3A_0, %arg0 : i32
    %mul3A_1 = arith.constant 512 : i32
    %mul3A_2 = arith.muli %add3A, %mul3A_1 : i32
    "tpu.region"() ({
      %run_scoped3A = tpu.sem_alloc : memref<!tpu.dma_semaphore, #tpu.memory_space<semaphore_mem>>
      tpu.enqueue_dma source(%arg3 : memref<104x128xf32, #tpu.memory_space<hbm>>) target(%arg6 : memref<104x128xf32, #tpu.memory_space<vmem>>) target_semaphore(%run_scoped3A : memref<!tpu.dma_semaphore, #tpu.memory_space<semaphore_mem>>)
      tpu.wait_dma2 semaphore(%run_scoped3A : memref<!tpu.dma_semaphore, #tpu.memory_space<semaphore_mem>>) src(%arg3 : memref<104x128xf32, #tpu.memory_space<hbm>>) dst(%arg6 : memref<104x128xf32, #tpu.memory_space<vmem>>)
      tpu.yield
    }) : () -> ()
    "tpu.region"() ({
      %run_scoped3A = tpu.sem_alloc : memref<!tpu.dma_semaphore, #tpu.memory_space<semaphore_mem>>
      %dma_start3A = tpu.memref_slice %arg2[%mul3A_2] : memref<16384xi32, #tpu.memory_space<hbm>> -> memref<512xi32, #tpu.memory_space<hbm>>
      %dma_start3A_413 = tpu.memref_slice %arg2[%mul3A_2] : memref<16384xi32, #tpu.memory_space<hbm>> -> memref<512xi32, #tpu.memory_space<hbm>>
      tpu.enqueue_dma source(%dma_start3A_413 : memref<512xi32, #tpu.memory_space<hbm>>) target(%arg5 : memref<512xi32, #tpu.memory_space<vmem>>) target_semaphore(%run_scoped3A : memref<!tpu.dma_semaphore, #tpu.memory_space<semaphore_mem>>)
      %dma_wait3A = tpu.memref_slice %arg2[%mul3A_2] : memref<16384xi32, #tpu.memory_space<hbm>> -> memref<512xi32, #tpu.memory_space<hbm>>
      %dma_wait3A_414 = tpu.memref_slice %arg2[%mul3A_2] : memref<16384xi32, #tpu.memory_space<hbm>> -> memref<512xi32, #tpu.memory_space<hbm>>
      tpu.wait_dma2 semaphore(%run_scoped3A : memref<!tpu.dma_semaphore, #tpu.memory_space<semaphore_mem>>) src(%dma_wait3A_414 : memref<512xi32, #tpu.memory_space<hbm>>) dst(%arg5 : memref<512xi32, #tpu.memory_space<vmem>>)
      tpu.yield
    }) : () -> ()
    %get3A = arith.constant 0 : index
    %get3A_3 = tpu.vector_load %arg5[%get3A] {strides = array<i32>} : memref<512xi32, #tpu.memory_space<vmem>>, vector<16xi32>,
    %broadcast_in_dim3A = arith.constant true
    %broadcast_in_dim3A_4 = vector.broadcast %broadcast_in_dim3A : i1 to vector<16xi1>
    %unique3A, %unique3A_5 = tpu.scan_count mask(%broadcast_in_dim3A_4 : vector<16xi1>) value(%get3A_3 : vector<16xi32>) : vector<16xi1>, vector<16xi32>
    %shift_right_logical3A = arith.constant 7 : i32
    %shift_right_logical3A_6 = vector.broadcast %shift_right_logical3A : i32 to vector<16xi32>
    %shift_right_logical3A_7 = arith.shrui %get3A_3, %shift_right_logical3A_6 : vector<16xi32>
    %and3A = arith.constant 127 : i32
    %and3A_8 = vector.broadcast %and3A : i32 to vector<16xi32>
    %and3A_9 = arith.andi %get3A_3, %and3A_8 : vector<16xi32>
    %convert_element_type3A = arith.sitofp %unique3A_5 : vector<16xi32> to vector<16xf32>
    tpu.vector_store_idx %arg6[%shift_right_logical3A_7, %and3A_9], %convert_element_type3A masked %unique3A {add = true} : memref<104x128xf32, #tpu.memory_space<vmem>>[vector<16xi32>, vector<16xi32>], vector<16xf32>, vector<16xi1>
    %get3A_10 = arith.constant 16 : index
    %get3A_11 = tpu.vector_load %arg5[%get3A_10] {strides = array<i32>} : memref<512xi32, #tpu.memory_space<vmem>>, vector<16xi32>,
    %broadcast_in_dim3A_12 = arith.constant true
    %broadcast_in_dim3A_13 = vector.broadcast %broadcast_in_dim3A_12 : i1 to vector<16xi1>
    %unique3A_14, %unique3A_15 = tpu.scan_count mask(%broadcast_in_dim3A_13 : vector<16xi1>) value(%get3A_11 : vector<16xi32>) : vector<16xi1>, vector<16xi32>
    %shift_right_logical3A_16 = arith.constant 7 : i32
    %shift_right_logical3A_17 = vector.broadcast %shift_right_logical3A_16 : i32 to vector<16xi32>
    %shift_right_logical3A_18 = arith.shrui %get3A_11, %shift_right_logical3A_17 : vector<16xi32>
    %and3A_19 = arith.constant 127 : i32
    %and3A_20 = vector.broadcast %and3A_19 : i32 to vector<16xi32>
    %and3A_21 = arith.andi %get3A_11, %and3A_20 : vector<16xi32>
    %convert_element_type3A_22 = arith.sitofp %unique3A_15 : vector<16xi32> to vector<16xf32>
    tpu.vector_store_idx %arg6[%shift_right_logical3A_18, %and3A_21], %convert_element_type3A_22 masked %unique3A_14 {add = true} : memref<104x128xf32, #tpu.memory_space<vmem>>[vector<16xi32>, vector<16xi32>], vector<16xf32>, vector<16xi1>
    %get3A_23 = arith.constant 32 : index
    %get3A_24 = tpu.vector_load %arg5[%get3A_23] {strides = array<i32>} : memref<512xi32, #tpu.memory_space<vmem>>, vector<16xi32>,
    %broadcast_in_dim3A_25 = arith.constant true
    %broadcast_in_dim3A_26 = vector.broadcast %broadcast_in_dim3A_25 : i1 to vector<16xi1>
    %unique3A_27, %unique3A_28 = tpu.scan_count mask(%broadcast_in_dim3A_26 : vector<16xi1>) value(%get3A_24 : vector<16xi32>) : vector<16xi1>, vector<16xi32>
    %shift_right_logical3A_29 = arith.constant 7 : i32
    %shift_right_logical3A_30 = vector.broadcast %shift_right_logical3A_29 : i32 to vector<16xi32>
    %shift_right_logical3A_31 = arith.shrui %get3A_24, %shift_right_logical3A_30 : vector<16xi32>
    %and3A_32 = arith.constant 127 : i32
    %and3A_33 = vector.broadcast %and3A_32 : i32 to vector<16xi32>
    %and3A_34 = arith.andi %get3A_24, %and3A_33 : vector<16xi32>
    %convert_element_type3A_35 = arith.sitofp %unique3A_28 : vector<16xi32> to vector<16xf32>
    tpu.vector_store_idx %arg6[%shift_right_logical3A_31, %and3A_34], %convert_element_type3A_35 masked %unique3A_27 {add = true} : memref<104x128xf32, #tpu.memory_space<vmem>>[vector<16xi32>, vector<16xi32>], vector<16xf32>, vector<16xi1>
    %get3A_36 = arith.constant 48 : index
    %get3A_37 = tpu.vector_load %arg5[%get3A_36] {strides = array<i32>} : memref<512xi32, #tpu.memory_space<vmem>>, vector<16xi32>,
    %broadcast_in_dim3A_38 = arith.constant true
    %broadcast_in_dim3A_39 = vector.broadcast %broadcast_in_dim3A_38 : i1 to vector<16xi1>
    %unique3A_40, %unique3A_41 = tpu.scan_count mask(%broadcast_in_dim3A_39 : vector<16xi1>) value(%get3A_37 : vector<16xi32>) : vector<16xi1>, vector<16xi32>
    %shift_right_logical3A_42 = arith.constant 7 : i32
    %shift_right_logical3A_43 = vector.broadcast %shift_right_logical3A_42 : i32 to vector<16xi32>
    %shift_right_logical3A_44 = arith.shrui %get3A_37, %shift_right_logical3A_43 : vector<16xi32>
    %and3A_45 = arith.constant 127 : i32
    %and3A_46 = vector.broadcast %and3A_45 : i32 to vector<16xi32>
    %and3A_47 = arith.andi %get3A_37, %and3A_46 : vector<16xi32>
    %convert_element_type3A_48 = arith.sitofp %unique3A_41 : vector<16xi32> to vector<16xf32>
    tpu.vector_store_idx %arg6[%shift_right_logical3A_44, %and3A_47], %convert_element_type3A_48 masked %unique3A_40 {add = true} : memref<104x128xf32, #tpu.memory_space<vmem>>[vector<16xi32>, vector<16xi32>], vector<16xf32>, vector<16xi1>
    %get3A_49 = arith.constant 64 : index
    %get3A_50 = tpu.vector_load %arg5[%get3A_49] {strides = array<i32>} : memref<512xi32, #tpu.memory_space<vmem>>, vector<16xi32>,
    %broadcast_in_dim3A_51 = arith.constant true
    %broadcast_in_dim3A_52 = vector.broadcast %broadcast_in_dim3A_51 : i1 to vector<16xi1>
    %unique3A_53, %unique3A_54 = tpu.scan_count mask(%broadcast_in_dim3A_52 : vector<16xi1>) value(%get3A_50 : vector<16xi32>) : vector<16xi1>, vector<16xi32>
    %shift_right_logical3A_55 = arith.constant 7 : i32
    %shift_right_logical3A_56 = vector.broadcast %shift_right_logical3A_55 : i32 to vector<16xi32>
    %shift_right_logical3A_57 = arith.shrui %get3A_50, %shift_right_logical3A_56 : vector<16xi32>
    %and3A_58 = arith.constant 127 : i32
    %and3A_59 = vector.broadcast %and3A_58 : i32 to vector<16xi32>
    %and3A_60 = arith.andi %get3A_50, %and3A_59 : vector<16xi32>
    %convert_element_type3A_61 = arith.sitofp %unique3A_54 : vector<16xi32> to vector<16xf32>
    tpu.vector_store_idx %arg6[%shift_right_logical3A_57, %and3A_60], %convert_element_type3A_61 masked %unique3A_53 {add = true} : memref<104x128xf32, #tpu.memory_space<vmem>>[vector<16xi32>, vector<16xi32>], vector<16xf32>, vector<16xi1>
    %get3A_62 = arith.constant 80 : index
    %get3A_63 = tpu.vector_load %arg5[%get3A_62] {strides = array<i32>} : memref<512xi32, #tpu.memory_space<vmem>>, vector<16xi32>,
    %broadcast_in_dim3A_64 = arith.constant true
    %broadcast_in_dim3A_65 = vector.broadcast %broadcast_in_dim3A_64 : i1 to vector<16xi1>
    %unique3A_66, %unique3A_67 = tpu.scan_count mask(%broadcast_in_dim3A_65 : vector<16xi1>) value(%get3A_63 : vector<16xi32>) : vector<16xi1>, vector<16xi32>
    %shift_right_logical3A_68 = arith.constant 7 : i32
    %shift_right_logical3A_69 = vector.broadcast %shift_right_logical3A_68 : i32 to vector<16xi32>
    %shift_right_logical3A_70 = arith.shrui %get3A_63, %shift_right_logical3A_69 : vector<16xi32>
    %and3A_71 = arith.constant 127 : i32
    %and3A_72 = vector.broadcast %and3A_71 : i32 to vector<16xi32>
    %and3A_73 = arith.andi %get3A_63, %and3A_72 : vector<16xi32>
    %convert_element_type3A_74 = arith.sitofp %unique3A_67 : vector<16xi32> to vector<16xf32>
    tpu.vector_store_idx %arg6[%shift_right_logical3A_70, %and3A_73], %convert_element_type3A_74 masked %unique3A_66 {add = true} : memref<104x128xf32, #tpu.memory_space<vmem>>[vector<16xi32>, vector<16xi32>], vector<16xf32>, vector<16xi1>
    %get3A_75 = arith.constant 96 : index
    %get3A_76 = tpu.vector_load %arg5[%get3A_75] {strides = array<i32>} : memref<512xi32, #tpu.memory_space<vmem>>, vector<16xi32>,
    %broadcast_in_dim3A_77 = arith.constant true
    %broadcast_in_dim3A_78 = vector.broadcast %broadcast_in_dim3A_77 : i1 to vector<16xi1>
    %unique3A_79, %unique3A_80 = tpu.scan_count mask(%broadcast_in_dim3A_78 : vector<16xi1>) value(%get3A_76 : vector<16xi32>) : vector<16xi1>, vector<16xi32>
    %shift_right_logical3A_81 = arith.constant 7 : i32
    %shift_right_logical3A_82 = vector.broadcast %shift_right_logical3A_81 : i32 to vector<16xi32>
    %shift_right_logical3A_83 = arith.shrui %get3A_76, %shift_right_logical3A_82 : vector<16xi32>
    %and3A_84 = arith.constant 127 : i32
    %and3A_85 = vector.broadcast %and3A_84 : i32 to vector<16xi32>
    %and3A_86 = arith.andi %get3A_76, %and3A_85 : vector<16xi32>
    %convert_element_type3A_87 = arith.sitofp %unique3A_80 : vector<16xi32> to vector<16xf32>
    tpu.vector_store_idx %arg6[%shift_right_logical3A_83, %and3A_86], %convert_element_type3A_87 masked %unique3A_79 {add = true} : memref<104x128xf32, #tpu.memory_space<vmem>>[vector<16xi32>, vector<16xi32>], vector<16xf32>, vector<16xi1>
    %get3A_88 = arith.constant 112 : index
    %get3A_89 = tpu.vector_load %arg5[%get3A_88] {strides = array<i32>} : memref<512xi32, #tpu.memory_space<vmem>>, vector<16xi32>,
    %broadcast_in_dim3A_90 = arith.constant true
    %broadcast_in_dim3A_91 = vector.broadcast %broadcast_in_dim3A_90 : i1 to vector<16xi1>
    %unique3A_92, %unique3A_93 = tpu.scan_count mask(%broadcast_in_dim3A_91 : vector<16xi1>) value(%get3A_89 : vector<16xi32>) : vector<16xi1>, vector<16xi32>
    %shift_right_logical3A_94 = arith.constant 7 : i32
    %shift_right_logical3A_95 = vector.broadcast %shift_right_logical3A_94 : i32 to vector<16xi32>
    %shift_right_logical3A_96 = arith.shrui %get3A_89, %shift_right_logical3A_95 : vector<16xi32>
    %and3A_97 = arith.constant 127 : i32
    %and3A_98 = vector.broadcast %and3A_97 : i32 to vector<16xi32>
    %and3A_99 = arith.andi %get3A_89, %and3A_98 : vector<16xi32>
    %convert_element_type3A_100 = arith.sitofp %unique3A_93 : vector<16xi32> to vector<16xf32>
    tpu.vector_store_idx %arg6[%shift_right_logical3A_96, %and3A_99], %convert_element_type3A_100 masked %unique3A_92 {add = true} : memref<104x128xf32, #tpu.memory_space<vmem>>[vector<16xi32>, vector<16xi32>], vector<16xf32>, vector<16xi1>
    %get3A_101 = arith.constant 128 : index
    %get3A_102 = tpu.vector_load %arg5[%get3A_101] {strides = array<i32>} : memref<512xi32, #tpu.memory_space<vmem>>, vector<16xi32>,
    %broadcast_in_dim3A_103 = arith.constant true
    %broadcast_in_dim3A_104 = vector.broadcast %broadcast_in_dim3A_103 : i1 to vector<16xi1>
    %unique3A_105, %unique3A_106 = tpu.scan_count mask(%broadcast_in_dim3A_104 : vector<16xi1>) value(%get3A_102 : vector<16xi32>) : vector<16xi1>, vector<16xi32>
    %shift_right_logical3A_107 = arith.constant 7 : i32
    %shift_right_logical3A_108 = vector.broadcast %shift_right_logical3A_107 : i32 to vector<16xi32>
    %shift_right_logical3A_109 = arith.shrui %get3A_102, %shift_right_logical3A_108 : vector<16xi32>
    %and3A_110 = arith.constant 127 : i32
    %and3A_111 = vector.broadcast %and3A_110 : i32 to vector<16xi32>
    %and3A_112 = arith.andi %get3A_102, %and3A_111 : vector<16xi32>
    %convert_element_type3A_113 = arith.sitofp %unique3A_106 : vector<16xi32> to vector<16xf32>
    tpu.vector_store_idx %arg6[%shift_right_logical3A_109, %and3A_112], %convert_element_type3A_113 masked %unique3A_105 {add = true} : memref<104x128xf32, #tpu.memory_space<vmem>>[vector<16xi32>, vector<16xi32>], vector<16xf32>, vector<16xi1>
    %get3A_114 = arith.constant 144 : index
    %get3A_115 = tpu.vector_load %arg5[%get3A_114] {strides = array<i32>} : memref<512xi32, #tpu.memory_space<vmem>>, vector<16xi32>,
    %broadcast_in_dim3A_116 = arith.constant true
    %broadcast_in_dim3A_117 = vector.broadcast %broadcast_in_dim3A_116 : i1 to vector<16xi1>
    %unique3A_118, %unique3A_119 = tpu.scan_count mask(%broadcast_in_dim3A_117 : vector<16xi1>) value(%get3A_115 : vector<16xi32>) : vector<16xi1>, vector<16xi32>
    %shift_right_logical3A_120 = arith.constant 7 : i32
    %shift_right_logical3A_121 = vector.broadcast %shift_right_logical3A_120 : i32 to vector<16xi32>
    %shift_right_logical3A_122 = arith.shrui %get3A_115, %shift_right_logical3A_121 : vector<16xi32>
    %and3A_123 = arith.constant 127 : i32
    %and3A_124 = vector.broadcast %and3A_123 : i32 to vector<16xi32>
    %and3A_125 = arith.andi %get3A_115, %and3A_124 : vector<16xi32>
    %convert_element_type3A_126 = arith.sitofp %unique3A_119 : vector<16xi32> to vector<16xf32>
    tpu.vector_store_idx %arg6[%shift_right_logical3A_122, %and3A_125], %convert_element_type3A_126 masked %unique3A_118 {add = true} : memref<104x128xf32, #tpu.memory_space<vmem>>[vector<16xi32>, vector<16xi32>], vector<16xf32>, vector<16xi1>
    %get3A_127 = arith.constant 160 : index
    %get3A_128 = tpu.vector_load %arg5[%get3A_127] {strides = array<i32>} : memref<512xi32, #tpu.memory_space<vmem>>, vector<16xi32>,
    %broadcast_in_dim3A_129 = arith.constant true
    %broadcast_in_dim3A_130 = vector.broadcast %broadcast_in_dim3A_129 : i1 to vector<16xi1>
    %unique3A_131, %unique3A_132 = tpu.scan_count mask(%broadcast_in_dim3A_130 : vector<16xi1>) value(%get3A_128 : vector<16xi32>) : vector<16xi1>, vector<16xi32>
    %shift_right_logical3A_133 = arith.constant 7 : i32
    %shift_right_logical3A_134 = vector.broadcast %shift_right_logical3A_133 : i32 to vector<16xi32>
    %shift_right_logical3A_135 = arith.shrui %get3A_128, %shift_right_logical3A_134 : vector<16xi32>
    %and3A_136 = arith.constant 127 : i32
    %and3A_137 = vector.broadcast %and3A_136 : i32 to vector<16xi32>
    %and3A_138 = arith.andi %get3A_128, %and3A_137 : vector<16xi32>
    %convert_element_type3A_139 = arith.sitofp %unique3A_132 : vector<16xi32> to vector<16xf32>
    tpu.vector_store_idx %arg6[%shift_right_logical3A_135, %and3A_138], %convert_element_type3A_139 masked %unique3A_131 {add = true} : memref<104x128xf32, #tpu.memory_space<vmem>>[vector<16xi32>, vector<16xi32>], vector<16xf32>, vector<16xi1>
    %get3A_140 = arith.constant 176 : index
    %get3A_141 = tpu.vector_load %arg5[%get3A_140] {strides = array<i32>} : memref<512xi32, #tpu.memory_space<vmem>>, vector<16xi32>,
    %broadcast_in_dim3A_142 = arith.constant true
    %broadcast_in_dim3A_143 = vector.broadcast %broadcast_in_dim3A_142 : i1 to vector<16xi1>
    %unique3A_144, %unique3A_145 = tpu.scan_count mask(%broadcast_in_dim3A_143 : vector<16xi1>) value(%get3A_141 : vector<16xi32>) : vector<16xi1>, vector<16xi32>
    %shift_right_logical3A_146 = arith.constant 7 : i32
    %shift_right_logical3A_147 = vector.broadcast %shift_right_logical3A_146 : i32 to vector<16xi32>
    %shift_right_logical3A_148 = arith.shrui %get3A_141, %shift_right_logical3A_147 : vector<16xi32>
    %and3A_149 = arith.constant 127 : i32
    %and3A_150 = vector.broadcast %and3A_149 : i32 to vector<16xi32>
    %and3A_151 = arith.andi %get3A_141, %and3A_150 : vector<16xi32>
    %convert_element_type3A_152 = arith.sitofp %unique3A_145 : vector<16xi32> to vector<16xf32>
    tpu.vector_store_idx %arg6[%shift_right_logical3A_148, %and3A_151], %convert_element_type3A_152 masked %unique3A_144 {add = true} : memref<104x128xf32, #tpu.memory_space<vmem>>[vector<16xi32>, vector<16xi32>], vector<16xf32>, vector<16xi1>
    %get3A_153 = arith.constant 192 : index
    %get3A_154 = tpu.vector_load %arg5[%get3A_153] {strides = array<i32>} : memref<512xi32, #tpu.memory_space<vmem>>, vector<16xi32>,
    %broadcast_in_dim3A_155 = arith.constant true
    %broadcast_in_dim3A_156 = vector.broadcast %broadcast_in_dim3A_155 : i1 to vector<16xi1>
    %unique3A_157, %unique3A_158 = tpu.scan_count mask(%broadcast_in_dim3A_156 : vector<16xi1>) value(%get3A_154 : vector<16xi32>) : vector<16xi1>, vector<16xi32>
    %shift_right_logical3A_159 = arith.constant 7 : i32
    %shift_right_logical3A_160 = vector.broadcast %shift_right_logical3A_159 : i32 to vector<16xi32>
    %shift_right_logical3A_161 = arith.shrui %get3A_154, %shift_right_logical3A_160 : vector<16xi32>
    %and3A_162 = arith.constant 127 : i32
    %and3A_163 = vector.broadcast %and3A_162 : i32 to vector<16xi32>
    %and3A_164 = arith.andi %get3A_154, %and3A_163 : vector<16xi32>
    %convert_element_type3A_165 = arith.sitofp %unique3A_158 : vector<16xi32> to vector<16xf32>
    tpu.vector_store_idx %arg6[%shift_right_logical3A_161, %and3A_164], %convert_element_type3A_165 masked %unique3A_157 {add = true} : memref<104x128xf32, #tpu.memory_space<vmem>>[vector<16xi32>, vector<16xi32>], vector<16xf32>, vector<16xi1>
    %get3A_166 = arith.constant 208 : index
    %get3A_167 = tpu.vector_load %arg5[%get3A_166] {strides = array<i32>} : memref<512xi32, #tpu.memory_space<vmem>>, vector<16xi32>,
    %broadcast_in_dim3A_168 = arith.constant true
    %broadcast_in_dim3A_169 = vector.broadcast %broadcast_in_dim3A_168 : i1 to vector<16xi1>
    %unique3A_170, %unique3A_171 = tpu.scan_count mask(%broadcast_in_dim3A_169 : vector<16xi1>) value(%get3A_167 : vector<16xi32>) : vector<16xi1>, vector<16xi32>
    %shift_right_logical3A_172 = arith.constant 7 : i32
    %shift_right_logical3A_173 = vector.broadcast %shift_right_logical3A_172 : i32 to vector<16xi32>
    %shift_right_logical3A_174 = arith.shrui %get3A_167, %shift_right_logical3A_173 : vector<16xi32>
    %and3A_175 = arith.constant 127 : i32
    %and3A_176 = vector.broadcast %and3A_175 : i32 to vector<16xi32>
    %and3A_177 = arith.andi %get3A_167, %and3A_176 : vector<16xi32>
    %convert_element_type3A_178 = arith.sitofp %unique3A_171 : vector<16xi32> to vector<16xf32>
    tpu.vector_store_idx %arg6[%shift_right_logical3A_174, %and3A_177], %convert_element_type3A_178 masked %unique3A_170 {add = true} : memref<104x128xf32, #tpu.memory_space<vmem>>[vector<16xi32>, vector<16xi32>], vector<16xf32>, vector<16xi1>
    %get3A_179 = arith.constant 224 : index
    %get3A_180 = tpu.vector_load %arg5[%get3A_179] {strides = array<i32>} : memref<512xi32, #tpu.memory_space<vmem>>, vector<16xi32>,
    %broadcast_in_dim3A_181 = arith.constant true
    %broadcast_in_dim3A_182 = vector.broadcast %broadcast_in_dim3A_181 : i1 to vector<16xi1>
    %unique3A_183, %unique3A_184 = tpu.scan_count mask(%broadcast_in_dim3A_182 : vector<16xi1>) value(%get3A_180 : vector<16xi32>) : vector<16xi1>, vector<16xi32>
    %shift_right_logical3A_185 = arith.constant 7 : i32
    %shift_right_logical3A_186 = vector.broadcast %shift_right_logical3A_185 : i32 to vector<16xi32>
    %shift_right_logical3A_187 = arith.shrui %get3A_180, %shift_right_logical3A_186 : vector<16xi32>
    %and3A_188 = arith.constant 127 : i32
    %and3A_189 = vector.broadcast %and3A_188 : i32 to vector<16xi32>
    %and3A_190 = arith.andi %get3A_180, %and3A_189 : vector<16xi32>
    %convert_element_type3A_191 = arith.sitofp %unique3A_184 : vector<16xi32> to vector<16xf32>
    tpu.vector_store_idx %arg6[%shift_right_logical3A_187, %and3A_190], %convert_element_type3A_191 masked %unique3A_183 {add = true} : memref<104x128xf32, #tpu.memory_space<vmem>>[vector<16xi32>, vector<16xi32>], vector<16xf32>, vector<16xi1>
    %get3A_192 = arith.constant 240 : index
    %get3A_193 = tpu.vector_load %arg5[%get3A_192] {strides = array<i32>} : memref<512xi32, #tpu.memory_space<vmem>>, vector<16xi32>,
    %broadcast_in_dim3A_194 = arith.constant true
    %broadcast_in_dim3A_195 = vector.broadcast %broadcast_in_dim3A_194 : i1 to vector<16xi1>
    %unique3A_196, %unique3A_197 = tpu.scan_count mask(%broadcast_in_dim3A_195 : vector<16xi1>) value(%get3A_193 : vector<16xi32>) : vector<16xi1>, vector<16xi32>
    %shift_right_logical3A_198 = arith.constant 7 : i32
    %shift_right_logical3A_199 = vector.broadcast %shift_right_logical3A_198 : i32 to vector<16xi32>
    %shift_right_logical3A_200 = arith.shrui %get3A_193, %shift_right_logical3A_199 : vector<16xi32>
    %and3A_201 = arith.constant 127 : i32
    %and3A_202 = vector.broadcast %and3A_201 : i32 to vector<16xi32>
    %and3A_203 = arith.andi %get3A_193, %and3A_202 : vector<16xi32>
    %convert_element_type3A_204 = arith.sitofp %unique3A_197 : vector<16xi32> to vector<16xf32>
    tpu.vector_store_idx %arg6[%shift_right_logical3A_200, %and3A_203], %convert_element_type3A_204 masked %unique3A_196 {add = true} : memref<104x128xf32, #tpu.memory_space<vmem>>[vector<16xi32>, vector<16xi32>], vector<16xf32>, vector<16xi1>
    %get3A_205 = arith.constant 256 : index
    %get3A_206 = tpu.vector_load %arg5[%get3A_205] {strides = array<i32>} : memref<512xi32, #tpu.memory_space<vmem>>, vector<16xi32>,
    %broadcast_in_dim3A_207 = arith.constant true
    %broadcast_in_dim3A_208 = vector.broadcast %broadcast_in_dim3A_207 : i1 to vector<16xi1>
    %unique3A_209, %unique3A_210 = tpu.scan_count mask(%broadcast_in_dim3A_208 : vector<16xi1>) value(%get3A_206 : vector<16xi32>) : vector<16xi1>, vector<16xi32>
    %shift_right_logical3A_211 = arith.constant 7 : i32
    %shift_right_logical3A_212 = vector.broadcast %shift_right_logical3A_211 : i32 to vector<16xi32>
    %shift_right_logical3A_213 = arith.shrui %get3A_206, %shift_right_logical3A_212 : vector<16xi32>
    %and3A_214 = arith.constant 127 : i32
    %and3A_215 = vector.broadcast %and3A_214 : i32 to vector<16xi32>
    %and3A_216 = arith.andi %get3A_206, %and3A_215 : vector<16xi32>
    %convert_element_type3A_217 = arith.sitofp %unique3A_210 : vector<16xi32> to vector<16xf32>
    tpu.vector_store_idx %arg6[%shift_right_logical3A_213, %and3A_216], %convert_element_type3A_217 masked %unique3A_209 {add = true} : memref<104x128xf32, #tpu.memory_space<vmem>>[vector<16xi32>, vector<16xi32>], vector<16xf32>, vector<16xi1>
    %get3A_218 = arith.constant 272 : index
    %get3A_219 = tpu.vector_load %arg5[%get3A_218] {strides = array<i32>} : memref<512xi32, #tpu.memory_space<vmem>>, vector<16xi32>,
    %broadcast_in_dim3A_220 = arith.constant true
    %broadcast_in_dim3A_221 = vector.broadcast %broadcast_in_dim3A_220 : i1 to vector<16xi1>
    %unique3A_222, %unique3A_223 = tpu.scan_count mask(%broadcast_in_dim3A_221 : vector<16xi1>) value(%get3A_219 : vector<16xi32>) : vector<16xi1>, vector<16xi32>
    %shift_right_logical3A_224 = arith.constant 7 : i32
    %shift_right_logical3A_225 = vector.broadcast %shift_right_logical3A_224 : i32 to vector<16xi32>
    %shift_right_logical3A_226 = arith.shrui %get3A_219, %shift_right_logical3A_225 : vector<16xi32>
    %and3A_227 = arith.constant 127 : i32
    %and3A_228 = vector.broadcast %and3A_227 : i32 to vector<16xi32>
    %and3A_229 = arith.andi %get3A_219, %and3A_228 : vector<16xi32>
    %convert_element_type3A_230 = arith.sitofp %unique3A_223 : vector<16xi32> to vector<16xf32>
    tpu.vector_store_idx %arg6[%shift_right_logical3A_226, %and3A_229], %convert_element_type3A_230 masked %unique3A_222 {add = true} : memref<104x128xf32, #tpu.memory_space<vmem>>[vector<16xi32>, vector<16xi32>], vector<16xf32>, vector<16xi1>
    %get3A_231 = arith.constant 288 : index
    %get3A_232 = tpu.vector_load %arg5[%get3A_231] {strides = array<i32>} : memref<512xi32, #tpu.memory_space<vmem>>, vector<16xi32>,
    %broadcast_in_dim3A_233 = arith.constant true
    %broadcast_in_dim3A_234 = vector.broadcast %broadcast_in_dim3A_233 : i1 to vector<16xi1>
    %unique3A_235, %unique3A_236 = tpu.scan_count mask(%broadcast_in_dim3A_234 : vector<16xi1>) value(%get3A_232 : vector<16xi32>) : vector<16xi1>, vector<16xi32>
    %shift_right_logical3A_237 = arith.constant 7 : i32
    %shift_right_logical3A_238 = vector.broadcast %shift_right_logical3A_237 : i32 to vector<16xi32>
    %shift_right_logical3A_239 = arith.shrui %get3A_232, %shift_right_logical3A_238 : vector<16xi32>
    %and3A_240 = arith.constant 127 : i32
    %and3A_241 = vector.broadcast %and3A_240 : i32 to vector<16xi32>
    %and3A_242 = arith.andi %get3A_232, %and3A_241 : vector<16xi32>
    %convert_element_type3A_243 = arith.sitofp %unique3A_236 : vector<16xi32> to vector<16xf32>
    tpu.vector_store_idx %arg6[%shift_right_logical3A_239, %and3A_242], %convert_element_type3A_243 masked %unique3A_235 {add = true} : memref<104x128xf32, #tpu.memory_space<vmem>>[vector<16xi32>, vector<16xi32>], vector<16xf32>, vector<16xi1>
    %get3A_244 = arith.constant 304 : index
    %get3A_245 = tpu.vector_load %arg5[%get3A_244] {strides = array<i32>} : memref<512xi32, #tpu.memory_space<vmem>>, vector<16xi32>,
    %broadcast_in_dim3A_246 = arith.constant true
    %broadcast_in_dim3A_247 = vector.broadcast %broadcast_in_dim3A_246 : i1 to vector<16xi1>
    %unique3A_248, %unique3A_249 = tpu.scan_count mask(%broadcast_in_dim3A_247 : vector<16xi1>) value(%get3A_245 : vector<16xi32>) : vector<16xi1>, vector<16xi32>
    %shift_right_logical3A_250 = arith.constant 7 : i32
    %shift_right_logical3A_251 = vector.broadcast %shift_right_logical3A_250 : i32 to vector<16xi32>
    %shift_right_logical3A_252 = arith.shrui %get3A_245, %shift_right_logical3A_251 : vector<16xi32>
    %and3A_253 = arith.constant 127 : i32
    %and3A_254 = vector.broadcast %and3A_253 : i32 to vector<16xi32>
    %and3A_255 = arith.andi %get3A_245, %and3A_254 : vector<16xi32>
    %convert_element_type3A_256 = arith.sitofp %unique3A_249 : vector<16xi32> to vector<16xf32>
    tpu.vector_store_idx %arg6[%shift_right_logical3A_252, %and3A_255], %convert_element_type3A_256 masked %unique3A_248 {add = true} : memref<104x128xf32, #tpu.memory_space<vmem>>[vector<16xi32>, vector<16xi32>], vector<16xf32>, vector<16xi1>
    %get3A_257 = arith.constant 320 : index
    %get3A_258 = tpu.vector_load %arg5[%get3A_257] {strides = array<i32>} : memref<512xi32, #tpu.memory_space<vmem>>, vector<16xi32>,
    %broadcast_in_dim3A_259 = arith.constant true
    %broadcast_in_dim3A_260 = vector.broadcast %broadcast_in_dim3A_259 : i1 to vector<16xi1>
    %unique3A_261, %unique3A_262 = tpu.scan_count mask(%broadcast_in_dim3A_260 : vector<16xi1>) value(%get3A_258 : vector<16xi32>) : vector<16xi1>, vector<16xi32>
    %shift_right_logical3A_263 = arith.constant 7 : i32
    %shift_right_logical3A_264 = vector.broadcast %shift_right_logical3A_263 : i32 to vector<16xi32>
    %shift_right_logical3A_265 = arith.shrui %get3A_258, %shift_right_logical3A_264 : vector<16xi32>
    %and3A_266 = arith.constant 127 : i32
    %and3A_267 = vector.broadcast %and3A_266 : i32 to vector<16xi32>
    %and3A_268 = arith.andi %get3A_258, %and3A_267 : vector<16xi32>
    %convert_element_type3A_269 = arith.sitofp %unique3A_262 : vector<16xi32> to vector<16xf32>
    tpu.vector_store_idx %arg6[%shift_right_logical3A_265, %and3A_268], %convert_element_type3A_269 masked %unique3A_261 {add = true} : memref<104x128xf32, #tpu.memory_space<vmem>>[vector<16xi32>, vector<16xi32>], vector<16xf32>, vector<16xi1>
    %get3A_270 = arith.constant 336 : index
    %get3A_271 = tpu.vector_load %arg5[%get3A_270] {strides = array<i32>} : memref<512xi32, #tpu.memory_space<vmem>>, vector<16xi32>,
    %broadcast_in_dim3A_272 = arith.constant true
    %broadcast_in_dim3A_273 = vector.broadcast %broadcast_in_dim3A_272 : i1 to vector<16xi1>
    %unique3A_274, %unique3A_275 = tpu.scan_count mask(%broadcast_in_dim3A_273 : vector<16xi1>) value(%get3A_271 : vector<16xi32>) : vector<16xi1>, vector<16xi32>
    %shift_right_logical3A_276 = arith.constant 7 : i32
    %shift_right_logical3A_277 = vector.broadcast %shift_right_logical3A_276 : i32 to vector<16xi32>
    %shift_right_logical3A_278 = arith.shrui %get3A_271, %shift_right_logical3A_277 : vector<16xi32>
    %and3A_279 = arith.constant 127 : i32
    %and3A_280 = vector.broadcast %and3A_279 : i32 to vector<16xi32>
    %and3A_281 = arith.andi %get3A_271, %and3A_280 : vector<16xi32>
    %convert_element_type3A_282 = arith.sitofp %unique3A_275 : vector<16xi32> to vector<16xf32>
    tpu.vector_store_idx %arg6[%shift_right_logical3A_278, %and3A_281], %convert_element_type3A_282 masked %unique3A_274 {add = true} : memref<104x128xf32, #tpu.memory_space<vmem>>[vector<16xi32>, vector<16xi32>], vector<16xf32>, vector<16xi1>
    %get3A_283 = arith.constant 352 : index
    %get3A_284 = tpu.vector_load %arg5[%get3A_283] {strides = array<i32>} : memref<512xi32, #tpu.memory_space<vmem>>, vector<16xi32>,
    %broadcast_in_dim3A_285 = arith.constant true
    %broadcast_in_dim3A_286 = vector.broadcast %broadcast_in_dim3A_285 : i1 to vector<16xi1>
    %unique3A_287, %unique3A_288 = tpu.scan_count mask(%broadcast_in_dim3A_286 : vector<16xi1>) value(%get3A_284 : vector<16xi32>) : vector<16xi1>, vector<16xi32>
    %shift_right_logical3A_289 = arith.constant 7 : i32
    %shift_right_logical3A_290 = vector.broadcast %shift_right_logical3A_289 : i32 to vector<16xi32>
    %shift_right_logical3A_291 = arith.shrui %get3A_284, %shift_right_logical3A_290 : vector<16xi32>
    %and3A_292 = arith.constant 127 : i32
    %and3A_293 = vector.broadcast %and3A_292 : i32 to vector<16xi32>
    %and3A_294 = arith.andi %get3A_284, %and3A_293 : vector<16xi32>
    %convert_element_type3A_295 = arith.sitofp %unique3A_288 : vector<16xi32> to vector<16xf32>
    tpu.vector_store_idx %arg6[%shift_right_logical3A_291, %and3A_294], %convert_element_type3A_295 masked %unique3A_287 {add = true} : memref<104x128xf32, #tpu.memory_space<vmem>>[vector<16xi32>, vector<16xi32>], vector<16xf32>, vector<16xi1>
    %get3A_296 = arith.constant 368 : index
    %get3A_297 = tpu.vector_load %arg5[%get3A_296] {strides = array<i32>} : memref<512xi32, #tpu.memory_space<vmem>>, vector<16xi32>,
    %broadcast_in_dim3A_298 = arith.constant true
    %broadcast_in_dim3A_299 = vector.broadcast %broadcast_in_dim3A_298 : i1 to vector<16xi1>
    %unique3A_300, %unique3A_301 = tpu.scan_count mask(%broadcast_in_dim3A_299 : vector<16xi1>) value(%get3A_297 : vector<16xi32>) : vector<16xi1>, vector<16xi32>
    %shift_right_logical3A_302 = arith.constant 7 : i32
    %shift_right_logical3A_303 = vector.broadcast %shift_right_logical3A_302 : i32 to vector<16xi32>
    %shift_right_logical3A_304 = arith.shrui %get3A_297, %shift_right_logical3A_303 : vector<16xi32>
    %and3A_305 = arith.constant 127 : i32
    %and3A_306 = vector.broadcast %and3A_305 : i32 to vector<16xi32>
    %and3A_307 = arith.andi %get3A_297, %and3A_306 : vector<16xi32>
    %convert_element_type3A_308 = arith.sitofp %unique3A_301 : vector<16xi32> to vector<16xf32>
    tpu.vector_store_idx %arg6[%shift_right_logical3A_304, %and3A_307], %convert_element_type3A_308 masked %unique3A_300 {add = true} : memref<104x128xf32, #tpu.memory_space<vmem>>[vector<16xi32>, vector<16xi32>], vector<16xf32>, vector<16xi1>
    %get3A_309 = arith.constant 384 : index
    %get3A_310 = tpu.vector_load %arg5[%get3A_309] {strides = array<i32>} : memref<512xi32, #tpu.memory_space<vmem>>, vector<16xi32>,
    %broadcast_in_dim3A_311 = arith.constant true
    %broadcast_in_dim3A_312 = vector.broadcast %broadcast_in_dim3A_311 : i1 to vector<16xi1>
    %unique3A_313, %unique3A_314 = tpu.scan_count mask(%broadcast_in_dim3A_312 : vector<16xi1>) value(%get3A_310 : vector<16xi32>) : vector<16xi1>, vector<16xi32>
    %shift_right_logical3A_315 = arith.constant 7 : i32
    %shift_right_logical3A_316 = vector.broadcast %shift_right_logical3A_315 : i32 to vector<16xi32>
    %shift_right_logical3A_317 = arith.shrui %get3A_310, %shift_right_logical3A_316 : vector<16xi32>
    %and3A_318 = arith.constant 127 : i32
    %and3A_319 = vector.broadcast %and3A_318 : i32 to vector<16xi32>
    %and3A_320 = arith.andi %get3A_310, %and3A_319 : vector<16xi32>
    %convert_element_type3A_321 = arith.sitofp %unique3A_314 : vector<16xi32> to vector<16xf32>
    tpu.vector_store_idx %arg6[%shift_right_logical3A_317, %and3A_320], %convert_element_type3A_321 masked %unique3A_313 {add = true} : memref<104x128xf32, #tpu.memory_space<vmem>>[vector<16xi32>, vector<16xi32>], vector<16xf32>, vector<16xi1>
    %get3A_322 = arith.constant 400 : index
    %get3A_323 = tpu.vector_load %arg5[%get3A_322] {strides = array<i32>} : memref<512xi32, #tpu.memory_space<vmem>>, vector<16xi32>,
    %broadcast_in_dim3A_324 = arith.constant true
    %broadcast_in_dim3A_325 = vector.broadcast %broadcast_in_dim3A_324 : i1 to vector<16xi1>
    %unique3A_326, %unique3A_327 = tpu.scan_count mask(%broadcast_in_dim3A_325 : vector<16xi1>) value(%get3A_323 : vector<16xi32>) : vector<16xi1>, vector<16xi32>
    %shift_right_logical3A_328 = arith.constant 7 : i32
    %shift_right_logical3A_329 = vector.broadcast %shift_right_logical3A_328 : i32 to vector<16xi32>
    %shift_right_logical3A_330 = arith.shrui %get3A_323, %shift_right_logical3A_329 : vector<16xi32>
    %and3A_331 = arith.constant 127 : i32
    %and3A_332 = vector.broadcast %and3A_331 : i32 to vector<16xi32>
    %and3A_333 = arith.andi %get3A_323, %and3A_332 : vector<16xi32>
    %convert_element_type3A_334 = arith.sitofp %unique3A_327 : vector<16xi32> to vector<16xf32>
    tpu.vector_store_idx %arg6[%shift_right_logical3A_330, %and3A_333], %convert_element_type3A_334 masked %unique3A_326 {add = true} : memref<104x128xf32, #tpu.memory_space<vmem>>[vector<16xi32>, vector<16xi32>], vector<16xf32>, vector<16xi1>
    %get3A_335 = arith.constant 416 : index
    %get3A_336 = tpu.vector_load %arg5[%get3A_335] {strides = array<i32>} : memref<512xi32, #tpu.memory_space<vmem>>, vector<16xi32>,
    %broadcast_in_dim3A_337 = arith.constant true
    %broadcast_in_dim3A_338 = vector.broadcast %broadcast_in_dim3A_337 : i1 to vector<16xi1>
    %unique3A_339, %unique3A_340 = tpu.scan_count mask(%broadcast_in_dim3A_338 : vector<16xi1>) value(%get3A_336 : vector<16xi32>) : vector<16xi1>, vector<16xi32>
    %shift_right_logical3A_341 = arith.constant 7 : i32
    %shift_right_logical3A_342 = vector.broadcast %shift_right_logical3A_341 : i32 to vector<16xi32>
    %shift_right_logical3A_343 = arith.shrui %get3A_336, %shift_right_logical3A_342 : vector<16xi32>
    %and3A_344 = arith.constant 127 : i32
    %and3A_345 = vector.broadcast %and3A_344 : i32 to vector<16xi32>
    %and3A_346 = arith.andi %get3A_336, %and3A_345 : vector<16xi32>
    %convert_element_type3A_347 = arith.sitofp %unique3A_340 : vector<16xi32> to vector<16xf32>
    tpu.vector_store_idx %arg6[%shift_right_logical3A_343, %and3A_346], %convert_element_type3A_347 masked %unique3A_339 {add = true} : memref<104x128xf32, #tpu.memory_space<vmem>>[vector<16xi32>, vector<16xi32>], vector<16xf32>, vector<16xi1>
    %get3A_348 = arith.constant 432 : index
    %get3A_349 = tpu.vector_load %arg5[%get3A_348] {strides = array<i32>} : memref<512xi32, #tpu.memory_space<vmem>>, vector<16xi32>,
    %broadcast_in_dim3A_350 = arith.constant true
    %broadcast_in_dim3A_351 = vector.broadcast %broadcast_in_dim3A_350 : i1 to vector<16xi1>
    %unique3A_352, %unique3A_353 = tpu.scan_count mask(%broadcast_in_dim3A_351 : vector<16xi1>) value(%get3A_349 : vector<16xi32>) : vector<16xi1>, vector<16xi32>
    %shift_right_logical3A_354 = arith.constant 7 : i32
    %shift_right_logical3A_355 = vector.broadcast %shift_right_logical3A_354 : i32 to vector<16xi32>
    %shift_right_logical3A_356 = arith.shrui %get3A_349, %shift_right_logical3A_355 : vector<16xi32>
    %and3A_357 = arith.constant 127 : i32
    %and3A_358 = vector.broadcast %and3A_357 : i32 to vector<16xi32>
    %and3A_359 = arith.andi %get3A_349, %and3A_358 : vector<16xi32>
    %convert_element_type3A_360 = arith.sitofp %unique3A_353 : vector<16xi32> to vector<16xf32>
    tpu.vector_store_idx %arg6[%shift_right_logical3A_356, %and3A_359], %convert_element_type3A_360 masked %unique3A_352 {add = true} : memref<104x128xf32, #tpu.memory_space<vmem>>[vector<16xi32>, vector<16xi32>], vector<16xf32>, vector<16xi1>
    %get3A_361 = arith.constant 448 : index
    %get3A_362 = tpu.vector_load %arg5[%get3A_361] {strides = array<i32>} : memref<512xi32, #tpu.memory_space<vmem>>, vector<16xi32>,
    %broadcast_in_dim3A_363 = arith.constant true
    %broadcast_in_dim3A_364 = vector.broadcast %broadcast_in_dim3A_363 : i1 to vector<16xi1>
    %unique3A_365, %unique3A_366 = tpu.scan_count mask(%broadcast_in_dim3A_364 : vector<16xi1>) value(%get3A_362 : vector<16xi32>) : vector<16xi1>, vector<16xi32>
    %shift_right_logical3A_367 = arith.constant 7 : i32
    %shift_right_logical3A_368 = vector.broadcast %shift_right_logical3A_367 : i32 to vector<16xi32>
    %shift_right_logical3A_369 = arith.shrui %get3A_362, %shift_right_logical3A_368 : vector<16xi32>
    %and3A_370 = arith.constant 127 : i32
    %and3A_371 = vector.broadcast %and3A_370 : i32 to vector<16xi32>
    %and3A_372 = arith.andi %get3A_362, %and3A_371 : vector<16xi32>
    %convert_element_type3A_373 = arith.sitofp %unique3A_366 : vector<16xi32> to vector<16xf32>
    tpu.vector_store_idx %arg6[%shift_right_logical3A_369, %and3A_372], %convert_element_type3A_373 masked %unique3A_365 {add = true} : memref<104x128xf32, #tpu.memory_space<vmem>>[vector<16xi32>, vector<16xi32>], vector<16xf32>, vector<16xi1>
    %get3A_374 = arith.constant 464 : index
    %get3A_375 = tpu.vector_load %arg5[%get3A_374] {strides = array<i32>} : memref<512xi32, #tpu.memory_space<vmem>>, vector<16xi32>,
    %broadcast_in_dim3A_376 = arith.constant true
    %broadcast_in_dim3A_377 = vector.broadcast %broadcast_in_dim3A_376 : i1 to vector<16xi1>
    %unique3A_378, %unique3A_379 = tpu.scan_count mask(%broadcast_in_dim3A_377 : vector<16xi1>) value(%get3A_375 : vector<16xi32>) : vector<16xi1>, vector<16xi32>
    %shift_right_logical3A_380 = arith.constant 7 : i32
    %shift_right_logical3A_381 = vector.broadcast %shift_right_logical3A_380 : i32 to vector<16xi32>
    %shift_right_logical3A_382 = arith.shrui %get3A_375, %shift_right_logical3A_381 : vector<16xi32>
    %and3A_383 = arith.constant 127 : i32
    %and3A_384 = vector.broadcast %and3A_383 : i32 to vector<16xi32>
    %and3A_385 = arith.andi %get3A_375, %and3A_384 : vector<16xi32>
    %convert_element_type3A_386 = arith.sitofp %unique3A_379 : vector<16xi32> to vector<16xf32>
    tpu.vector_store_idx %arg6[%shift_right_logical3A_382, %and3A_385], %convert_element_type3A_386 masked %unique3A_378 {add = true} : memref<104x128xf32, #tpu.memory_space<vmem>>[vector<16xi32>, vector<16xi32>], vector<16xf32>, vector<16xi1>
    %get3A_387 = arith.constant 480 : index
    %get3A_388 = tpu.vector_load %arg5[%get3A_387] {strides = array<i32>} : memref<512xi32, #tpu.memory_space<vmem>>, vector<16xi32>,
    %broadcast_in_dim3A_389 = arith.constant true
    %broadcast_in_dim3A_390 = vector.broadcast %broadcast_in_dim3A_389 : i1 to vector<16xi1>
    %unique3A_391, %unique3A_392 = tpu.scan_count mask(%broadcast_in_dim3A_390 : vector<16xi1>) value(%get3A_388 : vector<16xi32>) : vector<16xi1>, vector<16xi32>
    %shift_right_logical3A_393 = arith.constant 7 : i32
    %shift_right_logical3A_394 = vector.broadcast %shift_right_logical3A_393 : i32 to vector<16xi32>
    %shift_right_logical3A_395 = arith.shrui %get3A_388, %shift_right_logical3A_394 : vector<16xi32>
    %and3A_396 = arith.constant 127 : i32
    %and3A_397 = vector.broadcast %and3A_396 : i32 to vector<16xi32>
    %and3A_398 = arith.andi %get3A_388, %and3A_397 : vector<16xi32>
    %convert_element_type3A_399 = arith.sitofp %unique3A_392 : vector<16xi32> to vector<16xf32>
    tpu.vector_store_idx %arg6[%shift_right_logical3A_395, %and3A_398], %convert_element_type3A_399 masked %unique3A_391 {add = true} : memref<104x128xf32, #tpu.memory_space<vmem>>[vector<16xi32>, vector<16xi32>], vector<16xf32>, vector<16xi1>
    %get3A_400 = arith.constant 496 : index
    %get3A_401 = tpu.vector_load %arg5[%get3A_400] {strides = array<i32>} : memref<512xi32, #tpu.memory_space<vmem>>, vector<16xi32>,
    %broadcast_in_dim3A_402 = arith.constant true
    %broadcast_in_dim3A_403 = vector.broadcast %broadcast_in_dim3A_402 : i1 to vector<16xi1>
    %unique3A_404, %unique3A_405 = tpu.scan_count mask(%broadcast_in_dim3A_403 : vector<16xi1>) value(%get3A_401 : vector<16xi32>) : vector<16xi1>, vector<16xi32>
    %shift_right_logical3A_406 = arith.constant 7 : i32
    %shift_right_logical3A_407 = vector.broadcast %shift_right_logical3A_406 : i32 to vector<16xi32>
    %shift_right_logical3A_408 = arith.shrui %get3A_401, %shift_right_logical3A_407 : vector<16xi32>
    %and3A_409 = arith.constant 127 : i32
    %and3A_410 = vector.broadcast %and3A_409 : i32 to vector<16xi32>
    %and3A_411 = arith.andi %get3A_401, %and3A_410 : vector<16xi32>
    %convert_element_type3A_412 = arith.sitofp %unique3A_405 : vector<16xi32> to vector<16xf32>
    tpu.vector_store_idx %arg6[%shift_right_logical3A_408, %and3A_411], %convert_element_type3A_412 masked %unique3A_404 {add = true} : memref<104x128xf32, #tpu.memory_space<vmem>>[vector<16xi32>, vector<16xi32>], vector<16xf32>, vector<16xi1>
    "tpu.region"() ({
      %run_scoped3A = tpu.sem_alloc : memref<!tpu.dma_semaphore, #tpu.memory_space<semaphore_mem>>
      %dma_start3A = arith.constant 0 : i32
      %dma_start3A_413 = arith.constant 0 : i32
      %dma_start3A_414 = tpu.memref_slice %arg4[%add3A, %dma_start3A, %dma_start3A_413] : memref<32x104x128xf32, #tpu.memory_space<hbm>> -> memref<1x104x128xf32, #tpu.memory_space<hbm>>
      %dma_start3A_415 = tpu.memref_squeeze %dma_start3A_414 : memref<1x104x128xf32, #tpu.memory_space<hbm>> -> memref<104x128xf32, #tpu.memory_space<hbm>>
      %dma_start3A_416 = arith.constant 0 : i32
      %dma_start3A_417 = arith.constant 0 : i32
      %dma_start3A_418 = tpu.memref_slice %arg4[%add3A, %dma_start3A_416, %dma_start3A_417] : memref<32x104x128xf32, #tpu.memory_space<hbm>> -> memref<1x104x128xf32, #tpu.memory_space<hbm>>
      %dma_start3A_419 = tpu.memref_squeeze %dma_start3A_418 : memref<1x104x128xf32, #tpu.memory_space<hbm>> -> memref<104x128xf32, #tpu.memory_space<hbm>>
      tpu.enqueue_dma source(%arg6 : memref<104x128xf32, #tpu.memory_space<vmem>>) target(%dma_start3A_419 : memref<104x128xf32, #tpu.memory_space<hbm>>) target_semaphore(%run_scoped3A : memref<!tpu.dma_semaphore, #tpu.memory_space<semaphore_mem>>)
      %dma_wait3A = arith.constant 0 : i32
      %dma_wait3A_420 = arith.constant 0 : i32
      %dma_wait3A_421 = tpu.memref_slice %arg4[%add3A, %dma_wait3A, %dma_wait3A_420] : memref<32x104x128xf32, #tpu.memory_space<hbm>> -> memref<1x104x128xf32, #tpu.memory_space<hbm>>
      %dma_wait3A_422 = tpu.memref_squeeze %dma_wait3A_421 : memref<1x104x128xf32, #tpu.memory_space<hbm>> -> memref<104x128xf32, #tpu.memory_space<hbm>>
      %dma_wait3A_423 = arith.constant 0 : i32
      %dma_wait3A_424 = arith.constant 0 : i32
      %dma_wait3A_425 = tpu.memref_slice %arg4[%add3A, %dma_wait3A_423, %dma_wait3A_424] : memref<32x104x128xf32, #tpu.memory_space<hbm>> -> memref<1x104x128xf32, #tpu.memory_space<hbm>>
      %dma_wait3A_426 = tpu.memref_squeeze %dma_wait3A_425 : memref<1x104x128xf32, #tpu.memory_space<hbm>> -> memref<104x128xf32, #tpu.memory_space<hbm>>
      tpu.wait_dma2 semaphore(%run_scoped3A : memref<!tpu.dma_semaphore, #tpu.memory_space<semaphore_mem>>) src(%arg6 : memref<104x128xf32, #tpu.memory_space<vmem>>) dst(%dma_wait3A_426 : memref<104x128xf32, #tpu.memory_space<hbm>>)
      tpu.yield
    }) : () -> ()
    return
  }
}

module attributes {stable_mosaic.version = 14 : i64} {
  func.func @_mi_kernel(%arg0: memref<32x104x128xf32, #tpu.memory_space<vmem>>, %arg1: memref<1x1xf32, #tpu.memory_space<vmem>>) attributes {dimension_semantics = [], scalar_prefetch = 0 : i64, scratch_operands = 0 : i64, tpu.core_type = #tpu.core_type<tc>} {
    %get3A = arith.constant 0 : index
    %get3A_0 = arith.constant 0 : index
    %get3A_1 = arith.constant 0 : index
    %get3A_2 = vector.load %arg0[%get3A, %get3A_0, %get3A_1] : memref<32x104x128xf32, #tpu.memory_space<vmem>>, vector<32x104x128xf32>
    %reduce_sum3A = arith.constant dense<0.000000e+00> : vector<104x128xf32>
    %reduce_sum3A_3 = vector.multi_reduction <add>, %get3A_2, %reduce_sum3A [0] : vector<32x104x128xf32> to vector<104x128xf32>
    %iota3A = tpu.iota {dimensions = array<i32: 0>} : vector<104x128xi32>
    %iota3A_4 = tpu.iota {dimensions = array<i32: 1>} : vector<104x128xi32>
    %lt3A = arith.constant 100 : i32
    %lt3A_5 = vector.broadcast %lt3A : i32 to vector<104x128xi32>
    %lt3A_6 = arith.cmpi slt, %iota3A, %lt3A_5 : vector<104x128xi32>
    %lt3A_7 = arith.constant 100 : i32
    %lt3A_8 = vector.broadcast %lt3A_7 : i32 to vector<104x128xi32>
    %lt3A_9 = arith.cmpi slt, %iota3A_4, %lt3A_8 : vector<104x128xi32>
    %and3A = arith.andi %lt3A_6, %lt3A_9 : vector<104x128xi1>
    %jit3A = arith.constant 0.000000e+00 : f32
    %broadcast_in_dim3A = vector.broadcast %jit3A : f32 to vector<104x128xf32>
    %select_n3A = arith.select %and3A, %reduce_sum3A_3, %broadcast_in_dim3A : vector<104x128xi1>, vector<104x128xf32>
    %reduce_sum3A_10 = vector.shape_cast %select_n3A : vector<104x128xf32> to vector<1x104x128xf32>
    %reduce_sum3A_11 = arith.constant dense<0.000000e+00> : vector<1xf32>
    %reduce_sum3A_12 = vector.multi_reduction <add>, %reduce_sum3A_10, %reduce_sum3A_11 [1, 2] : vector<1x104x128xf32> to vector<1xf32>
    %reduce_sum3A_13 = vector.shape_cast %reduce_sum3A_12 : vector<1xf32> to vector<1x1x1xf32>
    %reduce_sum3A_14 = vector.extract %reduce_sum3A_13[0, 0, 0] : f32 from vector<1x1x1xf32>
    %div3A = vector.broadcast %reduce_sum3A_14 : f32 to vector<104x128xf32>
    %div3A_15 = arith.divf %select_n3A, %div3A : vector<104x128xf32>
    %reduce_sum3A_16 = arith.constant dense<0.000000e+00> : vector<104xf32>
    %reduce_sum3A_17 = vector.multi_reduction <add>, %div3A_15, %reduce_sum3A_16 [1] : vector<104x128xf32> to vector<104xf32>
    %broadcast_in_dim3A_18 = vector.shape_cast %reduce_sum3A_17 : vector<104xf32> to vector<104x1xf32>
    %reduce_sum3A_19 = arith.constant dense<0.000000e+00> : vector<128xf32>
    %reduce_sum3A_20 = vector.multi_reduction <add>, %div3A_15, %reduce_sum3A_19 [0] : vector<104x128xf32> to vector<128xf32>
    %broadcast_in_dim3A_21 = vector.shape_cast %reduce_sum3A_20 : vector<128xf32> to vector<1x128xf32>
    %add3A = arith.constant 1.000000e-10 : f32
    %add3A_22 = vector.broadcast %add3A : f32 to vector<104x1xf32>
    %add3A_23 = arith.addf %broadcast_in_dim3A_18, %add3A_22 : vector<104x1xf32>
    %log3A = math.log %add3A_23 : vector<104x1xf32>
    %add3A_24 = arith.constant 1.000000e-10 : f32
    %add3A_25 = vector.broadcast %add3A_24 : f32 to vector<1x128xf32>
    %add3A_26 = arith.addf %broadcast_in_dim3A_21, %add3A_25 : vector<1x128xf32>
    %log3A_27 = math.log %add3A_26 : vector<1x128xf32>
    %add3A_28 = arith.constant 1.000000e-10 : f32
    %add3A_29 = vector.broadcast %add3A_28 : f32 to vector<104x128xf32>
    %add3A_30 = arith.addf %div3A_15, %add3A_29 : vector<104x128xf32>
    %log3A_31 = math.log %add3A_30 : vector<104x128xf32>
    %sub3A = vector.broadcast %log3A : vector<104x1xf32> to vector<104x128xf32>
    %sub3A_32 = arith.subf %log3A_31, %sub3A : vector<104x128xf32>
    %sub3A_33 = vector.broadcast %log3A_27 : vector<1x128xf32> to vector<104x128xf32>
    %sub3A_34 = arith.subf %sub3A_32, %sub3A_33 : vector<104x128xf32>
    %mul3A = arith.mulf %div3A_15, %sub3A_34 : vector<104x128xf32>
    %reduce_sum3A_35 = vector.shape_cast %mul3A : vector<104x128xf32> to vector<1x104x128xf32>
    %reduce_sum3A_36 = arith.constant dense<0.000000e+00> : vector<1xf32>
    %reduce_sum3A_37 = vector.multi_reduction <add>, %reduce_sum3A_35, %reduce_sum3A_36 [1, 2] : vector<1x104x128xf32> to vector<1xf32>
    %reduce_sum3A_38 = vector.shape_cast %reduce_sum3A_37 : vector<1xf32> to vector<1x1x1xf32>
    %reduce_sum3A_39 = vector.extract %reduce_sum3A_38[0, 0, 0] : f32 from vector<1x1x1xf32>
    %slice3A = vector.extract_strided_slice %iota3A {offsets = [0, 0], sizes = [104, 1], strides = [1, 1]} : vector<104x128xi32> to vector<104x1xi32>
    %lt3A_40 = arith.constant 100 : i32
    %lt3A_41 = vector.broadcast %lt3A_40 : i32 to vector<104x1xi32>
    %lt3A_42 = arith.cmpi slt, %slice3A, %lt3A_41 : vector<104x1xi32>
    %jit3A_43 = arith.constant 0.000000e+00 : f32
    %broadcast_in_dim3A_44 = vector.broadcast %jit3A_43 : f32 to vector<104x1xf32>
    %select_n3A_45 = arith.select %lt3A_42, %log3A, %broadcast_in_dim3A_44 : vector<104x1xi1>, vector<104x1xf32>
    %reduce_sum3A_46 = vector.shape_cast %select_n3A_45 : vector<104x1xf32> to vector<1x104x1xf32>
    %reduce_sum3A_47 = arith.constant dense<0.000000e+00> : vector<1xf32>
    %reduce_sum3A_48 = vector.multi_reduction <add>, %reduce_sum3A_46, %reduce_sum3A_47 [1, 2] : vector<1x104x1xf32> to vector<1xf32>
    %reduce_sum3A_49 = vector.shape_cast %reduce_sum3A_48 : vector<1xf32> to vector<1x1x1xf32>
    %reduce_sum3A_50 = vector.extract %reduce_sum3A_49[0, 0, 0] : f32 from vector<1x1x1xf32>
    %neg3A = arith.constant 0.000000e+00 : f32
    %neg3A_51 = arith.subf %neg3A, %reduce_sum3A_50 : f32
    %slice3A_52 = vector.extract_strided_slice %iota3A_4 {offsets = [0, 0], sizes = [1, 128], strides = [1, 1]} : vector<104x128xi32> to vector<1x128xi32>
    %lt3A_53 = arith.constant 100 : i32
    %lt3A_54 = vector.broadcast %lt3A_53 : i32 to vector<1x128xi32>
    %lt3A_55 = arith.cmpi slt, %slice3A_52, %lt3A_54 : vector<1x128xi32>
    %jit3A_56 = arith.constant 0.000000e+00 : f32
    %broadcast_in_dim3A_57 = vector.broadcast %jit3A_56 : f32 to vector<1x128xf32>
    %select_n3A_58 = arith.select %lt3A_55, %log3A_27, %broadcast_in_dim3A_57 : vector<1x128xi1>, vector<1x128xf32>
    %reduce_sum3A_59 = vector.shape_cast %select_n3A_58 : vector<1x128xf32> to vector<1x1x128xf32>
    %reduce_sum3A_60 = arith.constant dense<0.000000e+00> : vector<1xf32>
    %reduce_sum3A_61 = vector.multi_reduction <add>, %reduce_sum3A_59, %reduce_sum3A_60 [1, 2] : vector<1x1x128xf32> to vector<1xf32>
    %reduce_sum3A_62 = vector.shape_cast %reduce_sum3A_61 : vector<1xf32> to vector<1x1x1xf32>
    %reduce_sum3A_63 = vector.extract %reduce_sum3A_62[0, 0, 0] : f32 from vector<1x1x1xf32>
    %neg3A_64 = arith.constant 0.000000e+00 : f32
    %neg3A_65 = arith.subf %neg3A_64, %reduce_sum3A_63 : f32
    %min3A = arith.minimumf %neg3A_51, %neg3A_65 : f32
    %div3A_66 = arith.divf %reduce_sum3A_39, %min3A : f32
    %reshape3A = vector.broadcast %div3A_66 : f32 to vector<1x1xf32>
    %swap3A = arith.constant 0 : index
    %swap3A_67 = arith.constant 0 : index
    %swap3A_68 = vector.load %arg1[%swap3A, %swap3A_67] : memref<1x1xf32, #tpu.memory_space<vmem>>, vector<1x1xf32>
    tpu.vector_store %arg1[%swap3A, %swap3A_67], %reshape3A {strides = array<i32>} : memref<1x1xf32, #tpu.memory_space<vmem>>, vector<1x1xf32>,
    return
  }
}

module attributes {stable_mosaic.version = 14 : i64} {
  func.func @_stage1_kernel(%arg0: i32, %arg1: memref<64x4096xf32, #tpu.memory_space<vmem>>, %arg2: memref<64x4096xf32, #tpu.memory_space<vmem>>, %arg3: memref<16384xf32, #tpu.memory_space<vmem>>, %arg4: memref<16384xi32, #tpu.memory_space<vmem>>, %arg5: memref<1x16384xf32, #tpu.memory_space<vmem>>, %arg6: memref<1x16384xf32, #tpu.memory_space<vmem>>, %arg7: memref<1x16384xf32, #tpu.memory_space<vmem>>) attributes {dimension_semantics = [#tpu.dimension_semantics<arbitrary>], iteration_bounds = array<i64: 4>, scalar_prefetch = 0 : i64, scratch_operands = 3 : i64, tpu.core_type = #tpu.core_type<tc>, window_params = [{transform_indices = @transform_0, window_bounds = array<i64: 64, 4096>}, {transform_indices = @transform_1, window_bounds = array<i64: 64, 4096>}, {pipeline_mode = #tpu.pipeline_mode<synchronous>, transform_indices = @transform_2, window_bounds = array<i64: 16384>}, {pipeline_mode = #tpu.pipeline_mode<synchronous>, transform_indices = @transform_3, window_bounds = array<i64: 16384>}]} {
    %get3A = arith.constant 0 : index
    %get3A_0 = arith.constant 0 : index
    %get3A_1 = vector.load %arg1[%get3A, %get3A_0] : memref<64x4096xf32, #tpu.memory_space<vmem>>, vector<64x4096xf32>
    %get3A_2 = arith.constant 0 : index
    %get3A_3 = arith.constant 0 : index
    %get3A_4 = vector.load %arg2[%get3A_2, %get3A_3] : memref<64x4096xf32, #tpu.memory_space<vmem>>, vector<64x4096xf32>
    %broadcast_in_dim3A = arith.constant 1.000000e+00 : f32
    %broadcast_in_dim3A_5 = vector.broadcast %broadcast_in_dim3A : f32 to vector<1x64xf32>
    %mul3A = arith.mulf %get3A_1, %get3A_4 : vector<64x4096xf32>
    %dot_general3A = arith.constant dense<0.000000e+00> : vector<1x4096xf32>
    %dot_general3A_6 = tpu.matmul %broadcast_in_dim3A_5, %mul3A, %dot_general3A {dimension_numbers = #tpu.dot_dimension_numbers<[1], [0], [0], [1], [0, 0, 1, 1], [], []>, precision = #tpu.contract_precision<fp32>, transpose_lhs_hint = false} : vector<1x64xf32>, vector<64x4096xf32>, vector<1x4096xf32> -> vector<1x4096xf32>
    %mul3A_7 = arith.mulf %get3A_1, %get3A_1 : vector<64x4096xf32>
    %dot_general3A_8 = arith.constant dense<0.000000e+00> : vector<1x4096xf32>
    %dot_general3A_9 = tpu.matmul %broadcast_in_dim3A_5, %mul3A_7, %dot_general3A_8 {dimension_numbers = #tpu.dot_dimension_numbers<[1], [0], [0], [1], [0, 0, 1, 1], [], []>, precision = #tpu.contract_precision<fp32>, transpose_lhs_hint = false} : vector<1x64xf32>, vector<64x4096xf32>, vector<1x4096xf32> -> vector<1x4096xf32>
    %mul3A_10 = arith.mulf %get3A_4, %get3A_4 : vector<64x4096xf32>
    %dot_general3A_11 = arith.constant dense<0.000000e+00> : vector<1x4096xf32>
    %dot_general3A_12 = tpu.matmul %broadcast_in_dim3A_5, %mul3A_10, %dot_general3A_11 {dimension_numbers = #tpu.dot_dimension_numbers<[1], [0], [0], [1], [0, 0, 1, 1], [], []>, precision = #tpu.contract_precision<fp32>, transpose_lhs_hint = false} : vector<1x64xf32>, vector<64x4096xf32>, vector<1x4096xf32> -> vector<1x4096xf32>
    %eq3A = arith.constant 0 : i32
    %eq3A_13 = arith.cmpi eq, %arg0, %eq3A : i32
    %convert_element_type3A = arith.extui %eq3A_13 : i1 to i32
    %cond3A = arith.constant 0 : i32
    %cond3A_14 = arith.cmpi ne, %convert_element_type3A, %cond3A : i32
    scf.if %cond3A_14 {
      %swap3A = arith.constant 0 : index
      %swap3A_35 = arith.constant 0 : index
      %swap3A_36 = vector.load %arg5[%swap3A, %swap3A_35] : memref<1x16384xf32, #tpu.memory_space<vmem>>, vector<1x4096xf32>
      tpu.vector_store %arg5[%swap3A, %swap3A_35], %dot_general3A_6 {strides = array<i32>} : memref<1x16384xf32, #tpu.memory_space<vmem>>, vector<1x4096xf32>,
      %swap3A_37 = arith.constant 0 : index
      %swap3A_38 = arith.constant 0 : index
      %swap3A_39 = vector.load %arg6[%swap3A_37, %swap3A_38] : memref<1x16384xf32, #tpu.memory_space<vmem>>, vector<1x4096xf32>
      tpu.vector_store %arg6[%swap3A_37, %swap3A_38], %dot_general3A_9 {strides = array<i32>} : memref<1x16384xf32, #tpu.memory_space<vmem>>, vector<1x4096xf32>,
      %swap3A_40 = arith.constant 0 : index
      %swap3A_41 = arith.constant 0 : index
      %swap3A_42 = vector.load %arg7[%swap3A_40, %swap3A_41] : memref<1x16384xf32, #tpu.memory_space<vmem>>, vector<1x4096xf32>
      tpu.vector_store %arg7[%swap3A_40, %swap3A_41], %dot_general3A_12 {strides = array<i32>} : memref<1x16384xf32, #tpu.memory_space<vmem>>, vector<1x4096xf32>,
    } else {
    }
    %eq3A_15 = arith.constant 1 : i32
    %eq3A_16 = arith.cmpi eq, %arg0, %eq3A_15 : i32
    %convert_element_type3A_17 = arith.extui %eq3A_16 : i1 to i32
    %cond3A_18 = arith.constant 0 : i32
    %cond3A_19 = arith.cmpi ne, %convert_element_type3A_17, %cond3A_18 : i32
    scf.if %cond3A_19 {
      %swap3A = arith.constant 0 : index
      %swap3A_35 = arith.constant 4096 : index
      %swap3A_36 = vector.load %arg5[%swap3A, %swap3A_35] : memref<1x16384xf32, #tpu.memory_space<vmem>>, vector<1x4096xf32>
      tpu.vector_store %arg5[%swap3A, %swap3A_35], %dot_general3A_6 {strides = array<i32>} : memref<1x16384xf32, #tpu.memory_space<vmem>>, vector<1x4096xf32>,
      %swap3A_37 = arith.constant 0 : index
      %swap3A_38 = arith.constant 4096 : index
      %swap3A_39 = vector.load %arg6[%swap3A_37, %swap3A_38] : memref<1x16384xf32, #tpu.memory_space<vmem>>, vector<1x4096xf32>
      tpu.vector_store %arg6[%swap3A_37, %swap3A_38], %dot_general3A_9 {strides = array<i32>} : memref<1x16384xf32, #tpu.memory_space<vmem>>, vector<1x4096xf32>,
      %swap3A_40 = arith.constant 0 : index
      %swap3A_41 = arith.constant 4096 : index
      %swap3A_42 = vector.load %arg7[%swap3A_40, %swap3A_41] : memref<1x16384xf32, #tpu.memory_space<vmem>>, vector<1x4096xf32>
      tpu.vector_store %arg7[%swap3A_40, %swap3A_41], %dot_general3A_12 {strides = array<i32>} : memref<1x16384xf32, #tpu.memory_space<vmem>>, vector<1x4096xf32>,
    } else {
    }
    %eq3A_20 = arith.constant 2 : i32
    %eq3A_21 = arith.cmpi eq, %arg0, %eq3A_20 : i32
    %convert_element_type3A_22 = arith.extui %eq3A_21 : i1 to i32
    %cond3A_23 = arith.constant 0 : i32
    %cond3A_24 = arith.cmpi ne, %convert_element_type3A_22, %cond3A_23 : i32
    scf.if %cond3A_24 {
      %swap3A = arith.constant 0 : index
      %swap3A_35 = arith.constant 8192 : index
      %swap3A_36 = vector.load %arg5[%swap3A, %swap3A_35] : memref<1x16384xf32, #tpu.memory_space<vmem>>, vector<1x4096xf32>
      tpu.vector_store %arg5[%swap3A, %swap3A_35], %dot_general3A_6 {strides = array<i32>} : memref<1x16384xf32, #tpu.memory_space<vmem>>, vector<1x4096xf32>,
      %swap3A_37 = arith.constant 0 : index
      %swap3A_38 = arith.constant 8192 : index
      %swap3A_39 = vector.load %arg6[%swap3A_37, %swap3A_38] : memref<1x16384xf32, #tpu.memory_space<vmem>>, vector<1x4096xf32>
      tpu.vector_store %arg6[%swap3A_37, %swap3A_38], %dot_general3A_9 {strides = array<i32>} : memref<1x16384xf32, #tpu.memory_space<vmem>>, vector<1x4096xf32>,
      %swap3A_40 = arith.constant 0 : index
      %swap3A_41 = arith.constant 8192 : index
      %swap3A_42 = vector.load %arg7[%swap3A_40, %swap3A_41] : memref<1x16384xf32, #tpu.memory_space<vmem>>, vector<1x4096xf32>
      tpu.vector_store %arg7[%swap3A_40, %swap3A_41], %dot_general3A_12 {strides = array<i32>} : memref<1x16384xf32, #tpu.memory_space<vmem>>, vector<1x4096xf32>,
    } else {
    }
    %eq3A_25 = arith.constant 3 : i32
    %eq3A_26 = arith.cmpi eq, %arg0, %eq3A_25 : i32
    %convert_element_type3A_27 = arith.extui %eq3A_26 : i1 to i32
    %cond3A_28 = arith.constant 0 : i32
    %cond3A_29 = arith.cmpi ne, %convert_element_type3A_27, %cond3A_28 : i32
    scf.if %cond3A_29 {
      %swap3A = arith.constant 0 : index
      %swap3A_35 = arith.constant 12288 : index
      %swap3A_36 = vector.load %arg5[%swap3A, %swap3A_35] : memref<1x16384xf32, #tpu.memory_space<vmem>>, vector<1x4096xf32>
      tpu.vector_store %arg5[%swap3A, %swap3A_35], %dot_general3A_6 {strides = array<i32>} : memref<1x16384xf32, #tpu.memory_space<vmem>>, vector<1x4096xf32>,
      %swap3A_37 = arith.constant 0 : index
      %swap3A_38 = arith.constant 12288 : index
      %swap3A_39 = vector.load %arg6[%swap3A_37, %swap3A_38] : memref<1x16384xf32, #tpu.memory_space<vmem>>, vector<1x4096xf32>
      tpu.vector_store %arg6[%swap3A_37, %swap3A_38], %dot_general3A_9 {strides = array<i32>} : memref<1x16384xf32, #tpu.memory_space<vmem>>, vector<1x4096xf32>,
      %swap3A_40 = arith.constant 0 : index
      %swap3A_41 = arith.constant 12288 : index
      %swap3A_42 = vector.load %arg7[%swap3A_40, %swap3A_41] : memref<1x16384xf32, #tpu.memory_space<vmem>>, vector<1x4096xf32>
      tpu.vector_store %arg7[%swap3A_40, %swap3A_41], %dot_general3A_12 {strides = array<i32>} : memref<1x16384xf32, #tpu.memory_space<vmem>>, vector<1x4096xf32>,
    } else {
    }
    %eq3A_30 = arith.constant 3 : i32
    %eq3A_31 = arith.cmpi eq, %arg0, %eq3A_30 : i32
    %convert_element_type3A_32 = arith.extui %eq3A_31 : i1 to i32
    %cond3A_33 = arith.constant 0 : i32
    %cond3A_34 = arith.cmpi ne, %convert_element_type3A_32, %cond3A_33 : i32
    scf.if %cond3A_34 {
      %get3A_35 = arith.constant 0 : index
      %get3A_36 = vector.load %arg3[%get3A_35] : memref<16384xf32, #tpu.memory_space<vmem>>, vector<16384xf32>
      %reshape3A = vector.shape_cast %get3A_36 : vector<16384xf32> to vector<1x16384xf32>
      %get3A_37 = arith.constant 0 : index
      %get3A_38 = arith.constant 0 : index
      %get3A_39 = vector.load %arg6[%get3A_37, %get3A_38] : memref<1x16384xf32, #tpu.memory_space<vmem>>, vector<1x16384xf32>
      %sqrt3A = math.sqrt %get3A_39 : vector<1x16384xf32>
      %max3A = arith.constant 9.99999996E-13 : f32
      %max3A_40 = vector.broadcast %max3A : f32 to vector<1x16384xf32>
      %max3A_41 = arith.maximumf %sqrt3A, %max3A_40 : vector<1x16384xf32>
      %get3A_42 = arith.constant 0 : index
      %get3A_43 = arith.constant 0 : index
      %get3A_44 = vector.load %arg7[%get3A_42, %get3A_43] : memref<1x16384xf32, #tpu.memory_space<vmem>>, vector<1x16384xf32>
      %sqrt3A_45 = math.sqrt %get3A_44 : vector<1x16384xf32>
      %max3A_46 = arith.constant 9.99999996E-13 : f32
      %max3A_47 = vector.broadcast %max3A_46 : f32 to vector<1x16384xf32>
      %max3A_48 = arith.maximumf %sqrt3A_45, %max3A_47 : vector<1x16384xf32>
      %mul3A_49 = arith.mulf %max3A_41, %max3A_48 : vector<1x16384xf32>
      %get3A_50 = arith.constant 0 : index
      %get3A_51 = arith.constant 0 : index
      %get3A_52 = vector.load %arg5[%get3A_50, %get3A_51] : memref<1x16384xf32, #tpu.memory_space<vmem>>, vector<1x16384xf32>
      %div3A = arith.divf %get3A_52, %mul3A_49 : vector<1x16384xf32>
      %reduce_min3A = vector.shape_cast %reshape3A : vector<1x16384xf32> to vector<1x1x16384xf32>
      %reduce_min3A_53 = arith.constant dense<0x7F800000> : vector<1xf32>
      %reduce_min3A_54 = vector.multi_reduction <minimumf>, %reduce_min3A, %reduce_min3A_53 [1, 2] : vector<1x1x16384xf32> to vector<1xf32>
      %reduce_min3A_55 = vector.shape_cast %reduce_min3A_54 : vector<1xf32> to vector<1x1x1xf32>
      %reduce_min3A_56 = vector.extract %reduce_min3A_55[0, 0, 0] : f32 from vector<1x1x1xf32>
      %reduce_max3A = vector.shape_cast %reshape3A : vector<1x16384xf32> to vector<1x1x16384xf32>
      %reduce_max3A_57 = arith.constant dense<0xFF800000> : vector<1xf32>
      %reduce_max3A_58 = vector.multi_reduction <maximumf>, %reduce_max3A, %reduce_max3A_57 [1, 2] : vector<1x1x16384xf32> to vector<1xf32>
      %reduce_max3A_59 = vector.shape_cast %reduce_max3A_58 : vector<1xf32> to vector<1x1x1xf32>
      %reduce_max3A_60 = vector.extract %reduce_max3A_59[0, 0, 0] : f32 from vector<1x1x1xf32>
      %sub3A = arith.constant -1.000000e+00 : f32
      %sub3A_61 = vector.broadcast %sub3A : f32 to vector<1x16384xf32>
      %sub3A_62 = arith.subf %div3A, %sub3A_61 : vector<1x16384xf32>
      %mul3A_63 = arith.constant 5.000000e+01 : f32
      %mul3A_64 = vector.broadcast %mul3A_63 : f32 to vector<1x16384xf32>
      %mul3A_65 = arith.mulf %sub3A_62, %mul3A_64 : vector<1x16384xf32>
      %floor3A = math.floor %mul3A_65 : vector<1x16384xf32>
      %jit3A = arith.constant 0.000000e+00 : f32
      %jit3A_66 = arith.constant 9.900000e+01 : f32
      %max3A_67 = vector.broadcast %jit3A : f32 to vector<1x16384xf32>
      %max3A_68 = arith.maximumf %max3A_67, %floor3A : vector<1x16384xf32>
      %min3A = vector.broadcast %jit3A_66 : f32 to vector<1x16384xf32>
      %min3A_69 = arith.minimumf %min3A, %max3A_68 : vector<1x16384xf32>
      %div3A_70 = arith.constant 1.000000e+02 : f32
      %div3A_71 = vector.broadcast %div3A_70 : f32 to vector<1x16384xf32>
      %div3A_72 = arith.divf %min3A_69, %div3A_71 : vector<1x16384xf32>
      %sub3A_73 = arith.constant 1.000000e+00 : f32
      %sub3A_74 = vector.broadcast %sub3A_73 : f32 to vector<1x16384xf32>
      %sub3A_75 = arith.subf %sub3A_74, %div3A_72 : vector<1x16384xf32>
      %mul3A_76 = arith.constant -1.000000e+00 : f32
      %mul3A_77 = vector.broadcast %mul3A_76 : f32 to vector<1x16384xf32>
      %mul3A_78 = arith.mulf %mul3A_77, %sub3A_75 : vector<1x16384xf32>
      %mul3A_79 = arith.constant 1.000000e+00 : f32
      %mul3A_80 = vector.broadcast %mul3A_79 : f32 to vector<1x16384xf32>
      %mul3A_81 = arith.mulf %mul3A_80, %div3A_72 : vector<1x16384xf32>
      %add3A = arith.addf %mul3A_78, %mul3A_81 : vector<1x16384xf32>
      %eq3A_82 = arith.constant 1.000000e+02 : f32
      %eq3A_83 = vector.broadcast %eq3A_82 : f32 to vector<1x16384xf32>
      %eq3A_84 = arith.cmpf oeq, %min3A_69, %eq3A_83 : vector<1x16384xf32>
      %jit3A_85 = arith.constant 1.000000e+00 : f32
      %broadcast_in_dim3A_86 = vector.broadcast %jit3A_85 : f32 to vector<1x16384xf32>
      %select_n3A = arith.select %eq3A_84, %broadcast_in_dim3A_86, %add3A : vector<1x16384xi1>, vector<1x16384xf32>
      %lt3A = arith.cmpf olt, %div3A, %select_n3A : vector<1x16384xf32>
      %convert_element_type3A_87 = arith.extui %lt3A : vector<1x16384xi1> to vector<1x16384xi32>
      %convert_element_type3A_88 = arith.sitofp %convert_element_type3A_87 : vector<1x16384xi32> to vector<1x16384xf32>
      %add3A_89 = arith.constant 1.000000e+00 : f32
      %add3A_90 = vector.broadcast %add3A_89 : f32 to vector<1x16384xf32>
      %add3A_91 = arith.addf %min3A_69, %add3A_90 : vector<1x16384xf32>
      %div3A_92 = arith.constant 1.000000e+02 : f32
      %div3A_93 = vector.broadcast %div3A_92 : f32 to vector<1x16384xf32>
      %div3A_94 = arith.divf %add3A_91, %div3A_93 : vector<1x16384xf32>
      %sub3A_95 = arith.constant 1.000000e+00 : f32
      %sub3A_96 = vector.broadcast %sub3A_95 : f32 to vector<1x16384xf32>
      %sub3A_97 = arith.subf %sub3A_96, %div3A_94 : vector<1x16384xf32>
      %mul3A_98 = arith.constant -1.000000e+00 : f32
      %mul3A_99 = vector.broadcast %mul3A_98 : f32 to vector<1x16384xf32>
      %mul3A_100 = arith.mulf %mul3A_99, %sub3A_97 : vector<1x16384xf32>
      %mul3A_101 = arith.constant 1.000000e+00 : f32
      %mul3A_102 = vector.broadcast %mul3A_101 : f32 to vector<1x16384xf32>
      %mul3A_103 = arith.mulf %mul3A_102, %div3A_94 : vector<1x16384xf32>
      %add3A_104 = arith.addf %mul3A_100, %mul3A_103 : vector<1x16384xf32>
      %eq3A_105 = arith.constant 1.000000e+02 : f32
      %eq3A_106 = vector.broadcast %eq3A_105 : f32 to vector<1x16384xf32>
      %eq3A_107 = arith.cmpf oeq, %add3A_91, %eq3A_106 : vector<1x16384xf32>
      %jit3A_108 = arith.constant 1.000000e+00 : f32
      %broadcast_in_dim3A_109 = vector.broadcast %jit3A_108 : f32 to vector<1x16384xf32>
      %select_n3A_110 = arith.select %eq3A_107, %broadcast_in_dim3A_109, %add3A_104 : vector<1x16384xi1>, vector<1x16384xf32>
      %ge3A = arith.cmpf oge, %div3A, %select_n3A_110 : vector<1x16384xf32>
      %convert_element_type3A_111 = arith.extui %ge3A : vector<1x16384xi1> to vector<1x16384xi32>
      %convert_element_type3A_112 = arith.sitofp %convert_element_type3A_111 : vector<1x16384xi32> to vector<1x16384xf32>
      %add3A_113 = arith.addf %min3A_69, %convert_element_type3A_112 : vector<1x16384xf32>
      %sub3A_114 = arith.subf %add3A_113, %convert_element_type3A_88 : vector<1x16384xf32>
      %jit3A_115 = arith.constant -1.000000e+00 : f32
      %jit3A_116 = arith.constant 1.000000e+02 : f32
      %max3A_117 = vector.broadcast %jit3A_115 : f32 to vector<1x16384xf32>
      %max3A_118 = arith.maximumf %max3A_117, %sub3A_114 : vector<1x16384xf32>
      %min3A_119 = vector.broadcast %jit3A_116 : f32 to vector<1x16384xf32>
      %min3A_120 = arith.minimumf %min3A_119, %max3A_118 : vector<1x16384xf32>
      %div3A_121 = arith.constant 1.000000e+02 : f32
      %div3A_122 = vector.broadcast %div3A_121 : f32 to vector<1x16384xf32>
      %div3A_123 = arith.divf %min3A_120, %div3A_122 : vector<1x16384xf32>
      %sub3A_124 = arith.constant 1.000000e+00 : f32
      %sub3A_125 = vector.broadcast %sub3A_124 : f32 to vector<1x16384xf32>
      %sub3A_126 = arith.subf %sub3A_125, %div3A_123 : vector<1x16384xf32>
      %mul3A_127 = arith.constant -1.000000e+00 : f32
      %mul3A_128 = vector.broadcast %mul3A_127 : f32 to vector<1x16384xf32>
      %mul3A_129 = arith.mulf %mul3A_128, %sub3A_126 : vector<1x16384xf32>
      %mul3A_130 = arith.constant 1.000000e+00 : f32
      %mul3A_131 = vector.broadcast %mul3A_130 : f32 to vector<1x16384xf32>
      %mul3A_132 = arith.mulf %mul3A_131, %div3A_123 : vector<1x16384xf32>
      %add3A_133 = arith.addf %mul3A_129, %mul3A_132 : vector<1x16384xf32>
      %eq3A_134 = arith.constant 1.000000e+02 : f32
      %eq3A_135 = vector.broadcast %eq3A_134 : f32 to vector<1x16384xf32>
      %eq3A_136 = arith.cmpf oeq, %min3A_120, %eq3A_135 : vector<1x16384xf32>
      %jit3A_137 = arith.constant 1.000000e+00 : f32
      %broadcast_in_dim3A_138 = vector.broadcast %jit3A_137 : f32 to vector<1x16384xf32>
      %select_n3A_139 = arith.select %eq3A_136, %broadcast_in_dim3A_138, %add3A_133 : vector<1x16384xi1>, vector<1x16384xf32>
      %lt3A_140 = arith.cmpf olt, %div3A, %select_n3A_139 : vector<1x16384xf32>
      %convert_element_type3A_141 = arith.extui %lt3A_140 : vector<1x16384xi1> to vector<1x16384xi32>
      %convert_element_type3A_142 = arith.sitofp %convert_element_type3A_141 : vector<1x16384xi32> to vector<1x16384xf32>
      %add3A_143 = arith.constant 1.000000e+00 : f32
      %add3A_144 = vector.broadcast %add3A_143 : f32 to vector<1x16384xf32>
      %add3A_145 = arith.addf %min3A_120, %add3A_144 : vector<1x16384xf32>
      %div3A_146 = arith.constant 1.000000e+02 : f32
      %div3A_147 = vector.broadcast %div3A_146 : f32 to vector<1x16384xf32>
      %div3A_148 = arith.divf %add3A_145, %div3A_147 : vector<1x16384xf32>
      %sub3A_149 = arith.constant 1.000000e+00 : f32
      %sub3A_150 = vector.broadcast %sub3A_149 : f32 to vector<1x16384xf32>
      %sub3A_151 = arith.subf %sub3A_150, %div3A_148 : vector<1x16384xf32>
      %mul3A_152 = arith.constant -1.000000e+00 : f32
      %mul3A_153 = vector.broadcast %mul3A_152 : f32 to vector<1x16384xf32>
      %mul3A_154 = arith.mulf %mul3A_153, %sub3A_151 : vector<1x16384xf32>
      %mul3A_155 = arith.constant 1.000000e+00 : f32
      %mul3A_156 = vector.broadcast %mul3A_155 : f32 to vector<1x16384xf32>
      %mul3A_157 = arith.mulf %mul3A_156, %div3A_148 : vector<1x16384xf32>
      %add3A_158 = arith.addf %mul3A_154, %mul3A_157 : vector<1x16384xf32>
      %eq3A_159 = arith.constant 1.000000e+02 : f32
      %eq3A_160 = vector.broadcast %eq3A_159 : f32 to vector<1x16384xf32>
      %eq3A_161 = arith.cmpf oeq, %add3A_145, %eq3A_160 : vector<1x16384xf32>
      %jit3A_162 = arith.constant 1.000000e+00 : f32
      %broadcast_in_dim3A_163 = vector.broadcast %jit3A_162 : f32 to vector<1x16384xf32>
      %select_n3A_164 = arith.select %eq3A_161, %broadcast_in_dim3A_163, %add3A_158 : vector<1x16384xi1>, vector<1x16384xf32>
      %ge3A_165 = arith.cmpf oge, %div3A, %select_n3A_164 : vector<1x16384xf32>
      %convert_element_type3A_166 = arith.extui %ge3A_165 : vector<1x16384xi1> to vector<1x16384xi32>
      %convert_element_type3A_167 = arith.sitofp %convert_element_type3A_166 : vector<1x16384xi32> to vector<1x16384xf32>
      %add3A_168 = arith.addf %min3A_120, %convert_element_type3A_167 : vector<1x16384xf32>
      %sub3A_169 = arith.subf %add3A_168, %convert_element_type3A_142 : vector<1x16384xf32>
      %jit3A_170 = arith.constant -1.000000e+00 : f32
      %jit3A_171 = arith.constant 1.000000e+02 : f32
      %max3A_172 = vector.broadcast %jit3A_170 : f32 to vector<1x16384xf32>
      %max3A_173 = arith.maximumf %max3A_172, %sub3A_169 : vector<1x16384xf32>
      %min3A_174 = vector.broadcast %jit3A_171 : f32 to vector<1x16384xf32>
      %min3A_175 = arith.minimumf %min3A_174, %max3A_173 : vector<1x16384xf32>
      %ne3A = arith.cmpf one, %mul3A_65, %mul3A_65 : vector<1x16384xf32>
      %jit3A_176 = arith.constant 1.000000e+02 : f32
      %broadcast_in_dim3A_177 = vector.broadcast %jit3A_176 : f32 to vector<1x16384xf32>
      %select_n3A_178 = arith.select %ne3A, %broadcast_in_dim3A_177, %min3A_175 : vector<1x16384xi1>, vector<1x16384xf32>
      %sub3A_179 = arith.subf %reduce_max3A_60, %reduce_min3A_56 : f32
      %div3A_180 = arith.constant 1.000000e+02 : f32
      %div3A_181 = arith.divf %div3A_180, %sub3A_179 : f32
      %sub3A_182 = vector.broadcast %reduce_min3A_56 : f32 to vector<1x16384xf32>
      %sub3A_183 = arith.subf %reshape3A, %sub3A_182 : vector<1x16384xf32>
      %mul3A_184 = vector.broadcast %div3A_181 : f32 to vector<1x16384xf32>
      %mul3A_185 = arith.mulf %sub3A_183, %mul3A_184 : vector<1x16384xf32>
      %floor3A_186 = math.floor %mul3A_185 : vector<1x16384xf32>
      %jit3A_187 = arith.constant 0.000000e+00 : f32
      %jit3A_188 = arith.constant 9.900000e+01 : f32
      %max3A_189 = vector.broadcast %jit3A_187 : f32 to vector<1x16384xf32>
      %max3A_190 = arith.maximumf %max3A_189, %floor3A_186 : vector<1x16384xf32>
      %min3A_191 = vector.broadcast %jit3A_188 : f32 to vector<1x16384xf32>
      %min3A_192 = arith.minimumf %min3A_191, %max3A_190 : vector<1x16384xf32>
      %div3A_193 = arith.constant 1.000000e+02 : f32
      %div3A_194 = vector.broadcast %div3A_193 : f32 to vector<1x16384xf32>
      %div3A_195 = arith.divf %min3A_192, %div3A_194 : vector<1x16384xf32>
      %sub3A_196 = arith.constant 1.000000e+00 : f32
      %sub3A_197 = vector.broadcast %sub3A_196 : f32 to vector<1x16384xf32>
      %sub3A_198 = arith.subf %sub3A_197, %div3A_195 : vector<1x16384xf32>
      %mul3A_199 = vector.broadcast %reduce_min3A_56 : f32 to vector<1x16384xf32>
      %mul3A_200 = arith.mulf %mul3A_199, %sub3A_198 : vector<1x16384xf32>
      %mul3A_201 = vector.broadcast %reduce_max3A_60 : f32 to vector<1x16384xf32>
      %mul3A_202 = arith.mulf %mul3A_201, %div3A_195 : vector<1x16384xf32>
      %add3A_203 = arith.addf %mul3A_200, %mul3A_202 : vector<1x16384xf32>
      %eq3A_204 = arith.constant 1.000000e+02 : f32
      %eq3A_205 = vector.broadcast %eq3A_204 : f32 to vector<1x16384xf32>
      %eq3A_206 = arith.cmpf oeq, %min3A_192, %eq3A_205 : vector<1x16384xf32>
      %broadcast_in_dim3A_207 = vector.broadcast %reduce_max3A_60 : f32 to vector<1x16384xf32>
      %select_n3A_208 = arith.select %eq3A_206, %broadcast_in_dim3A_207, %add3A_203 : vector<1x16384xi1>, vector<1x16384xf32>
      %lt3A_209 = arith.cmpf olt, %reshape3A, %select_n3A_208 : vector<1x16384xf32>
      %convert_element_type3A_210 = arith.extui %lt3A_209 : vector<1x16384xi1> to vector<1x16384xi32>
      %convert_element_type3A_211 = arith.sitofp %convert_element_type3A_210 : vector<1x16384xi32> to vector<1x16384xf32>
      %add3A_212 = arith.constant 1.000000e+00 : f32
      %add3A_213 = vector.broadcast %add3A_212 : f32 to vector<1x16384xf32>
      %add3A_214 = arith.addf %min3A_192, %add3A_213 : vector<1x16384xf32>
      %div3A_215 = arith.constant 1.000000e+02 : f32
      %div3A_216 = vector.broadcast %div3A_215 : f32 to vector<1x16384xf32>
      %div3A_217 = arith.divf %add3A_214, %div3A_216 : vector<1x16384xf32>
      %sub3A_218 = arith.constant 1.000000e+00 : f32
      %sub3A_219 = vector.broadcast %sub3A_218 : f32 to vector<1x16384xf32>
      %sub3A_220 = arith.subf %sub3A_219, %div3A_217 : vector<1x16384xf32>
      %mul3A_221 = vector.broadcast %reduce_min3A_56 : f32 to vector<1x16384xf32>
      %mul3A_222 = arith.mulf %mul3A_221, %sub3A_220 : vector<1x16384xf32>
      %mul3A_223 = vector.broadcast %reduce_max3A_60 : f32 to vector<1x16384xf32>
      %mul3A_224 = arith.mulf %mul3A_223, %div3A_217 : vector<1x16384xf32>
      %add3A_225 = arith.addf %mul3A_222, %mul3A_224 : vector<1x16384xf32>
      %eq3A_226 = arith.constant 1.000000e+02 : f32
      %eq3A_227 = vector.broadcast %eq3A_226 : f32 to vector<1x16384xf32>
      %eq3A_228 = arith.cmpf oeq, %add3A_214, %eq3A_227 : vector<1x16384xf32>
      %broadcast_in_dim3A_229 = vector.broadcast %reduce_max3A_60 : f32 to vector<1x16384xf32>
      %select_n3A_230 = arith.select %eq3A_228, %broadcast_in_dim3A_229, %add3A_225 : vector<1x16384xi1>, vector<1x16384xf32>
      %ge3A_231 = arith.cmpf oge, %reshape3A, %select_n3A_230 : vector<1x16384xf32>
      %convert_element_type3A_232 = arith.extui %ge3A_231 : vector<1x16384xi1> to vector<1x16384xi32>
      %convert_element_type3A_233 = arith.sitofp %convert_element_type3A_232 : vector<1x16384xi32> to vector<1x16384xf32>
      %add3A_234 = arith.addf %min3A_192, %convert_element_type3A_233 : vector<1x16384xf32>
      %sub3A_235 = arith.subf %add3A_234, %convert_element_type3A_211 : vector<1x16384xf32>
      %jit3A_236 = arith.constant -1.000000e+00 : f32
      %jit3A_237 = arith.constant 1.000000e+02 : f32
      %max3A_238 = vector.broadcast %jit3A_236 : f32 to vector<1x16384xf32>
      %max3A_239 = arith.maximumf %max3A_238, %sub3A_235 : vector<1x16384xf32>
      %min3A_240 = vector.broadcast %jit3A_237 : f32 to vector<1x16384xf32>
      %min3A_241 = arith.minimumf %min3A_240, %max3A_239 : vector<1x16384xf32>
      %div3A_242 = arith.constant 1.000000e+02 : f32
      %div3A_243 = vector.broadcast %div3A_242 : f32 to vector<1x16384xf32>
      %div3A_244 = arith.divf %min3A_241, %div3A_243 : vector<1x16384xf32>
      %sub3A_245 = arith.constant 1.000000e+00 : f32
      %sub3A_246 = vector.broadcast %sub3A_245 : f32 to vector<1x16384xf32>
      %sub3A_247 = arith.subf %sub3A_246, %div3A_244 : vector<1x16384xf32>
      %mul3A_248 = vector.broadcast %reduce_min3A_56 : f32 to vector<1x16384xf32>
      %mul3A_249 = arith.mulf %mul3A_248, %sub3A_247 : vector<1x16384xf32>
      %mul3A_250 = vector.broadcast %reduce_max3A_60 : f32 to vector<1x16384xf32>
      %mul3A_251 = arith.mulf %mul3A_250, %div3A_244 : vector<1x16384xf32>
      %add3A_252 = arith.addf %mul3A_249, %mul3A_251 : vector<1x16384xf32>
      %eq3A_253 = arith.constant 1.000000e+02 : f32
      %eq3A_254 = vector.broadcast %eq3A_253 : f32 to vector<1x16384xf32>
      %eq3A_255 = arith.cmpf oeq, %min3A_241, %eq3A_254 : vector<1x16384xf32>
      %broadcast_in_dim3A_256 = vector.broadcast %reduce_max3A_60 : f32 to vector<1x16384xf32>
      %select_n3A_257 = arith.select %eq3A_255, %broadcast_in_dim3A_256, %add3A_252 : vector<1x16384xi1>, vector<1x16384xf32>
      %lt3A_258 = arith.cmpf olt, %reshape3A, %select_n3A_257 : vector<1x16384xf32>
      %convert_element_type3A_259 = arith.extui %lt3A_258 : vector<1x16384xi1> to vector<1x16384xi32>
      %convert_element_type3A_260 = arith.sitofp %convert_element_type3A_259 : vector<1x16384xi32> to vector<1x16384xf32>
      %add3A_261 = arith.constant 1.000000e+00 : f32
      %add3A_262 = vector.broadcast %add3A_261 : f32 to vector<1x16384xf32>
      %add3A_263 = arith.addf %min3A_241, %add3A_262 : vector<1x16384xf32>
      %div3A_264 = arith.constant 1.000000e+02 : f32
      %div3A_265 = vector.broadcast %div3A_264 : f32 to vector<1x16384xf32>
      %div3A_266 = arith.divf %add3A_263, %div3A_265 : vector<1x16384xf32>
      %sub3A_267 = arith.constant 1.000000e+00 : f32
      %sub3A_268 = vector.broadcast %sub3A_267 : f32 to vector<1x16384xf32>
      %sub3A_269 = arith.subf %sub3A_268, %div3A_266 : vector<1x16384xf32>
      %mul3A_270 = vector.broadcast %reduce_min3A_56 : f32 to vector<1x16384xf32>
      %mul3A_271 = arith.mulf %mul3A_270, %sub3A_269 : vector<1x16384xf32>
      %mul3A_272 = vector.broadcast %reduce_max3A_60 : f32 to vector<1x16384xf32>
      %mul3A_273 = arith.mulf %mul3A_272, %div3A_266 : vector<1x16384xf32>
      %add3A_274 = arith.addf %mul3A_271, %mul3A_273 : vector<1x16384xf32>
      %eq3A_275 = arith.constant 1.000000e+02 : f32
      %eq3A_276 = vector.broadcast %eq3A_275 : f32 to vector<1x16384xf32>
      %eq3A_277 = arith.cmpf oeq, %add3A_263, %eq3A_276 : vector<1x16384xf32>
      %broadcast_in_dim3A_278 = vector.broadcast %reduce_max3A_60 : f32 to vector<1x16384xf32>
      %select_n3A_279 = arith.select %eq3A_277, %broadcast_in_dim3A_278, %add3A_274 : vector<1x16384xi1>, vector<1x16384xf32>
      %ge3A_280 = arith.cmpf oge, %reshape3A, %select_n3A_279 : vector<1x16384xf32>
      %convert_element_type3A_281 = arith.extui %ge3A_280 : vector<1x16384xi1> to vector<1x16384xi32>
      %convert_element_type3A_282 = arith.sitofp %convert_element_type3A_281 : vector<1x16384xi32> to vector<1x16384xf32>
      %add3A_283 = arith.addf %min3A_241, %convert_element_type3A_282 : vector<1x16384xf32>
      %sub3A_284 = arith.subf %add3A_283, %convert_element_type3A_260 : vector<1x16384xf32>
      %jit3A_285 = arith.constant -1.000000e+00 : f32
      %jit3A_286 = arith.constant 1.000000e+02 : f32
      %max3A_287 = vector.broadcast %jit3A_285 : f32 to vector<1x16384xf32>
      %max3A_288 = arith.maximumf %max3A_287, %sub3A_284 : vector<1x16384xf32>
      %min3A_289 = vector.broadcast %jit3A_286 : f32 to vector<1x16384xf32>
      %min3A_290 = arith.minimumf %min3A_289, %max3A_288 : vector<1x16384xf32>
      %ne3A_291 = arith.cmpf one, %mul3A_185, %mul3A_185 : vector<1x16384xf32>
      %jit3A_292 = arith.constant 1.000000e+02 : f32
      %broadcast_in_dim3A_293 = vector.broadcast %jit3A_292 : f32 to vector<1x16384xf32>
      %select_n3A_294 = arith.select %ne3A_291, %broadcast_in_dim3A_293, %min3A_290 : vector<1x16384xi1>, vector<1x16384xf32>
      %ge3A_295 = arith.constant 0.000000e+00 : f32
      %ge3A_296 = vector.broadcast %ge3A_295 : f32 to vector<1x16384xf32>
      %ge3A_297 = arith.cmpf oge, %select_n3A_178, %ge3A_296 : vector<1x16384xf32>
      %lt3A_298 = arith.constant 1.000000e+02 : f32
      %lt3A_299 = vector.broadcast %lt3A_298 : f32 to vector<1x16384xf32>
      %lt3A_300 = arith.cmpf olt, %select_n3A_178, %lt3A_299 : vector<1x16384xf32>
      %and3A = arith.andi %ge3A_297, %lt3A_300 : vector<1x16384xi1>
      %ge3A_301 = arith.constant 0.000000e+00 : f32
      %ge3A_302 = vector.broadcast %ge3A_301 : f32 to vector<1x16384xf32>
      %ge3A_303 = arith.cmpf oge, %select_n3A_294, %ge3A_302 : vector<1x16384xf32>
      %and3A_304 = arith.andi %and3A, %ge3A_303 : vector<1x16384xi1>
      %lt3A_305 = arith.constant 1.000000e+02 : f32
      %lt3A_306 = vector.broadcast %lt3A_305 : f32 to vector<1x16384xf32>
      %lt3A_307 = arith.cmpf olt, %select_n3A_294, %lt3A_306 : vector<1x16384xf32>
      %and3A_308 = arith.andi %and3A_304, %lt3A_307 : vector<1x16384xi1>
      %convert_element_type3A_309 = arith.fptosi %select_n3A_178 : vector<1x16384xf32> to vector<1x16384xi32>
      %mul3A_310 = arith.constant 128 : i32
      %mul3A_311 = vector.broadcast %mul3A_310 : i32 to vector<1x16384xi32>
      %mul3A_312 = arith.muli %convert_element_type3A_309, %mul3A_311 : vector<1x16384xi32>
      %convert_element_type3A_313 = arith.fptosi %select_n3A_294 : vector<1x16384xf32> to vector<1x16384xi32>
      %add3A_314 = arith.addi %mul3A_312, %convert_element_type3A_313 : vector<1x16384xi32>
      %jit3A_315 = arith.constant 12800 : i32
      %broadcast_in_dim3A_316 = vector.broadcast %jit3A_315 : i32 to vector<1x16384xi32>
      %select_n3A_317 = arith.select %and3A_308, %add3A_314, %broadcast_in_dim3A_316 : vector<1x16384xi1>, vector<1x16384xi32>
      %reshape3A_318 = vector.shape_cast %select_n3A_317 : vector<1x16384xi32> to vector<16384xi32>
      %swap3A = arith.constant 0 : index
      %swap3A_319 = vector.load %arg4[%swap3A] : memref<16384xi32, #tpu.memory_space<vmem>>, vector<16384xi32>
      tpu.vector_store %arg4[%swap3A], %reshape3A_318 {strides = array<i32>} : memref<16384xi32, #tpu.memory_space<vmem>>, vector<16384xi32>,
    } else {
    }
    return
  }
  func.func @transform_0(%arg0: i32) -> (i32, i32) {
    %c0_i32 = arith.constant 0 : i32
    %c0_i32_0 = arith.constant 0 : i32
    return %c0_i32, %arg0 : i32, i32
  }
  func.func @transform_1(%arg0: i32) -> (i32, i32) {
    %c0_i32 = arith.constant 0 : i32
    %c0_i32_0 = arith.constant 0 : i32
    return %c0_i32, %arg0 : i32, i32
  }
  func.func @transform_2(%arg0: i32) -> i32 {
    %c0_i32 = arith.constant 0 : i32
    %c0_i32_0 = arith.constant 0 : i32
    return %c0_i32 : i32
  }
  func.func @transform_3(%arg0: i32) -> i32 {
    %c0_i32 = arith.constant 0 : i32
    %c0_i32_0 = arith.constant 0 : i32
    return %c0_i32 : i32
  }
}

</mosaic_0001>

<sc_bundles>
// kernel: kernel.5.cloned.1.call-start
scs
__scs_entry_jumppad:
0x0: {  	(pc) =	sbr.rel $0x88, $3  }
0x1: {  	(tag) =	ssettag $0x0;
	lr =	simm.s32 $0x1  }
0x2: {  	[smem:$0x3F9E] =	sst lr;
	_ =	strace $0xD0000000  }
0x3: {  	_ = 	snop  }
0x4: {  	_ = 	snop  }
0x5: {  	_ = 	snop  }
0x6: {  	_ = 	snop  }
0x7: {  	_ = 	snop  }
__scs_overlays_trampoline_lowered:
0x8: {  	[smem:$0x3FAD] =	sst s0  }
0x9: {  	[smem:$0x3FAE] =	sst s1  }
0xa: {  	[smem:$0x3FAF] =	sst s2  }
0xb: {  	[smem:$0x3FB0] =	sst s3  }
0xc: {  	[smem:$0x3FB1] =	sst s4  }
0xd: {  	[smem:$0x3FB2] =	sst s5  }
0xe: {  	[smem:$0x3FB3] =	sst s6  }
0xf: {  	[smem:$0x3FB4] =	sst s7  }
0x10: {  	[smem:$0x3FB5] =	sst s8  }
0x11: {  	[smem:$0x3FB6] =	sst s9;
	s0 =	simm.s32 @!p0 $0x0  }
0x12: {  	s1 =	sld [smem:$0x3F9C];
	s0 =	simm.s32 @p0 $0x1  }
0x13: {  	[smem:$0x3FB7] =	sst s0;
	s0 =	simm.s32 @!p1 $0x0  }
0x14: {  	s2 =	sld [smem:$0x3F9B];
	s0 =	simm.s32 @p1 $0x1  }
0x15: {  	[smem:$0x3FB8] =	sst s0;
	s0 =	simm.s32 @!p2 $0x0  }
0x16: {  	s3 =	sld [smem:$0x3FDB];
	s0 =	simm.s32 @p2 $0x1  }
0x17: {  	s4 =	simm.s32 $0x1BF5;
	[smem:$0x3FBA] =	sst s0  }
0x18: {  	s0 =	sld [smem:$0x3F9D];
	_ =	swait.ge [sflag:s4], $0x0  }
0x19: {  	s7 =	sld [smem:$0x3F9E]  }
0x1a: {  	s8 =	sadd.s32 $0xFFFFE003, lr  }
0x1b: {  	s9 =	sadd.s32 $0xFFFFFEF7, lr;
	s5 =	simm.s32 $0xFFFFFFFF;
	p2 =	slt.u32 s8, $0xFFFFF086  }
0x1c: {  	p1 =	slt.u32 s9, $0xF7A;
	s5 =	simm.s32 @!p2 $0x0  }
0x1d: {  	s5 =	simm.s32 @p1 $0x1;
	p0 =	seq.s32 s7, s2  }
0x1e: {  	s7 =	smul.u32 @!p0 $0xF7A, s2;
	p2 =	seq.s32 @!p0 s5, $0x0  }
0x1f: {  	s9 =	smul.u32 $0xF7A, s1;
	s8 =	simm.s32 @!p0 $0x1BF5;
	p2 =	por !p2, p0  }
0x20: {  	[sflag:s8] =	ssyncset.s32 @!p0 $0xFFFFF086;
	s6 =	sadd.s32 @!p0 s3, s7;
	s7 =	simm.s32 @!p0 $0x108  }
0x21: {  	s3 =	sadd.s32 s3, s9;
	s6 =	sadd.s32 @!p0 $0x88, s6;
	s7 =	simm.s32 @p2 $0x1082  }
0x22: {  	[simem:s7], [sflag:s8] =	dma.local @!p0 [hbm:s6], $0xF7A  }
0x23: {  	s9 =	sor.u32 $0xD0000000, s2;
	s6 =	simm.s32 $0x108;
	_ =	swait.ge @!p0 [sflag:s8], $0x0  }
0x24: {  	s3 =	sadd.s32 $0x88, s3;
	s6 =	simm.s32 @!p1 $0x1082;
	[sflag:s4] =	ssyncset.s32 $0xFFFFF086  }
0x25: {  	[simem:s6], [sflag:s4] =	dma.local [hbm:s3], $0xF7A  }
0x26: {  	[smem:$0x3F9E] =	sst s1;
	(tag) =	ssettag s2;
	_ =	strace s9  }
0x27: {  	s1 =	sld [smem:$0x3FAE]  }
0x28: {  	s2 =	sld [smem:$0x3FAF]  }
0x29: {  	s4 =	sld [smem:$0x3FB1]  }
0x2a: {  	p0 =	seq.s32 s5, $0x0;
	s5 =	sld [smem:$0x3FB2]  }
0x2b: {  	s6 =	sld [smem:$0x3FB3]  }
0x2c: {  	s7 =	sld [smem:$0x3FB4]  }
0x2d: {  	s3 =	simm.s32 $0x108;
	s8 =	sld [smem:$0x3FB5]  }
0x2e: {  	s3 =	simm.s32 @!p0 $0x1082;
	s9 =	sld [smem:$0x3FB6]  }
0x2f: {  	lr =	sadd.s32 s0, s3;
	s0 =	sld [smem:$0x3FAD]  }
0x30: {  	s3 =	sld [smem:$0x3FB0]  }
0x31: {  	[smem:$0x3FB9] =	sst s10  }
0x32: {  	s10 =	sld [smem:$0x3FB7];
	_ =	sdelay $0x3  }
0x33: {  	p0 =	seq.s32 s10, $0x1;
	s10 =	sld [smem:$0x3FB9];
	_ =	sdelay $0x3  }
0x34: {  	[smem:$0x3FB9] =	sst s10  }
0x35: {  	s10 =	sld [smem:$0x3FB8];
	_ =	sdelay $0x3  }
0x36: {  	p1 =	seq.s32 s10, $0x1;
	s10 =	sld [smem:$0x3FB9];
	_ =	sdelay $0x3  }
0x37: {  	[smem:$0x3FB9] =	sst s10  }
0x38: {  	s10 =	sld [smem:$0x3FBA]  }
0x39: {  	_ = 	snop;
	(pc) =	sbr.ind lr, $3  }
0x3a: {  	_ = 	snop  }
0x3b: {  	_ = 	snop  }
0x3c: {  	p2 =	seq.s32 s10, $0x1;
	s10 =	sld [smem:$0x3FB9]  }
0x3d: {  	_ =	shalt  }
0x3e: {  	_ =	shalt  }
0x3f: {  	_ =	shalt  }
0x40: {  	_ =	shalt  }
0x41: {  	_ =	shalt  }
0x42: {  	_ =	shalt  }
0x43: {  	_ =	shalt  }
0x44: {  	_ =	shalt  }
0x45: {  	_ =	shalt  }
0x46: {  	_ =	shalt  }
0x47: {  	_ =	shalt  }
0x48: {  	_ =	shalt  }
0x49: {  	_ =	shalt  }
0x4a: {  	_ =	shalt  }
0x4b: {  	_ =	shalt  }
0x4c: {  	_ =	shalt  }
0x4d: {  	_ =	shalt  }
0x4e: {  	_ =	shalt  }
0x4f: {  	_ =	shalt  }
0x50: {  	_ =	shalt  }
0x51: {  	_ =	shalt  }
0x52: {  	_ =	shalt  }
0x53: {  	_ =	shalt  }
0x54: {  	_ =	shalt  }
0x55: {  	_ =	shalt  }
0x56: {  	_ =	shalt  }
0x57: {  	_ =	shalt  }
0x58: {  	_ =	shalt  }
0x59: {  	_ =	shalt  }
0x5a: {  	_ =	shalt  }
0x5b: {  	_ =	shalt  }
0x5c: {  	_ =	shalt  }
0x5d: {  	_ =	shalt  }
0x5e: {  	_ =	shalt  }
0x5f: {  	_ =	shalt  }
0x60: {  	_ =	shalt  }
0x61: {  	_ =	shalt  }
0x62: {  	_ =	shalt  }
0x63: {  	_ =	shalt  }
0x64: {  	_ =	shalt  }
0x65: {  	_ =	shalt  }
0x66: {  	_ =	shalt  }
0x67: {  	_ =	shalt  }
0x68: {  	_ =	shalt  }
0x69: {  	_ =	shalt  }
0x6a: {  	_ =	shalt  }
0x6b: {  	_ =	shalt  }
0x6c: {  	_ =	shalt  }
0x6d: {  	_ =	shalt  }
0x6e: {  	_ =	shalt  }
0x6f: {  	_ =	shalt  }
0x70: {  	_ =	shalt  }
0x71: {  	_ =	shalt  }
0x72: {  	_ =	shalt  }
0x73: {  	_ =	shalt  }
0x74: {  	_ =	shalt  }
0x75: {  	_ =	shalt  }
0x76: {  	_ =	shalt  }
0x77: {  	_ =	shalt  }
0x78: {  	_ =	shalt  }
0x79: {  	_ =	shalt  }
0x7a: {  	_ =	shalt  }
0x7b: {  	_ =	shalt  }
0x7c: {  	_ =	shalt  }
0x7d: {  	_ =	shalt  }
0x7e: {  	_ =	shalt  }
0x7f: {  	_ =	shalt  }
0x80: {  	_ =	shalt  }
0x81: {  	_ =	shalt  }
0x82: {  	_ =	shalt  }
0x83: {  	_ =	shalt  }
0x84: {  	_ =	shalt  }
0x85: {  	_ =	shalt  }
0x86: {  	_ =	shalt  }
0x87: {  	_ =	shalt  }
.Lfunc_end0:
.L_simem_size_0:
called_computation_lowered:
.L_overlay_start_0:
0x88: {  	s2 =	sld [smem:$0x3FD9]  }
0x89: {  	s3 =	sld [smem:$0x3FFE];
	_ =	sdelay $0x1  }
0x8a: {  	s1 =	srdreg.scid  }
0x8b: {  	s0 =	sand.u32 $0x1, s1  }
0x8c: {  	s16 =	sshll.u32 s0, $0xA;
	s2 =	sadd.s32 s3, s2  }
0x8d: {  	s2 =	sadd.s32 s2, s16  }
0x8e: {  	[smem:$0x3FC5] =	sst s2  }
0x8f: {  	_ = 	snop  }
0x90: {  	(tm) =	ssettm $0x1  }
0x91: {  	s17 =	sld [smem:$0x3FFB];
	_ =	sdelay $0x3  }
0x92: {  	_ =	strace s17  }
0x93: {  	s2 =	sld [smem:$0x3FFC];
	_ =	sdelay $0x3  }
0x94: {  	_ =	strace s2  }
0x95: {  	s2 =	sld [smem:$0x3FFD];
	_ =	sdelay $0x3  }
0x96: {  	_ =	strace s2  }
0x97: {  	_ =	strace $0x8FFFFFFF  }
0x98: {  	s18 =	sld [smem:$0x3FDB];
	_ =	sdelay $0x1  }
0x99: {  	s19 =	simm.s32 $_scs_section_size  }
0x9a: {  	s4 =	simm.s32 $_size__tile_overlayer_lowered;
	s5 =	simm.s32 $_tile_overlayer_lowered  }
0x9b: {  	s22 =	simm.s32 $0x1BFF;
	s21 =	sshll.u32 s5, $0x1;
	s2 =	sadd.s32 s19, s18  }
0x9c: {  	s6 =	simm.s32 $0x0;
	s20 =	sshll.u32 s4, $0x1;
	s4 =	sadd.s32 s21, s2  }
0x9d: {  	[timem:s6], [sflag:s22] =	dma.local [hbm:s4], s20  }
0x9e: {  	_ =	swait.ge [sflag:s22], s20  }
0x9f: {  	s3 =	ssub.s32 $0x0, s20;
	[sflag:s22] =	ssyncset.done $0x0  }
0xa0: {  	[sflag:s22] =	ssyncadd.s32 s3;
	_ =	sdelay $0x1  }
0xa1: {  	s23 =	simm.s32 $0x1B8B  }
0xa2: {  	_ =	swait.ge [sflag:s23], $0x1  }
0xa3: {  	[sflag:s23] =	ssyncset.done $0x0  }
0xa4: {  	s25 =	simm.s32 $0x1B8E;
	s24 =	sld [smem:$0x3FFE];
	[sflag:s23] =	ssyncadd.s32 $0xFFFFFFFF  }
0xa5: {  	s26 =	simm.s32 $execute0_lowered;
	[smem:$0x3FD2] =	sst s25  }
0xa6: {  	s4 =	sshll.u32 s26, $0x1;
	_ =	strace $0x80000046;
	[dreg:$0x1] =	wrdreg $0xFFFFFFFF  }
0xa7: {  	s28 =	simm.s32 $_size_execute0_lowered;
	s2 =	sadd.s32 s2, s4;
	[dreg:$0x0] =	wrdreg $0x0  }
0xa8: {  	s4 =	sshll.u32 s28, $0x1;
	[dreg:$0x2] =	wrdreg s2  }
0xa9: {  	[dreg:$0x3] =	wrdreg s4  }
0xaa: {  	[dreg:$0x4] =	wrdreg $0xC0  }
0xab: {  	_ =	task [dreg:s6], $0x5FFFF  }
0xac: {  	[dreg:$0x1] =	wrdreg $0xFFFFFFFF  }
0xad: {  	[dreg:$0x0] =	wrdreg $0x60  }
0xae: {  	[dreg:$0x2] =	wrdreg s24  }
0xaf: {  	[dreg:$0x3] =	wrdreg $0x9  }
0xb0: {  	_ =	task.clear_ibuf [dreg:s6], $0x4FFFF;
	_ =	strace $0x90000046  }
0xb1: {  	s29 =	simm.s32 $0x9;
	_ =	strace $0x80000048  }
0xb2: {  	_ =	swait.ge [sflag:s29], $0x1  }
0xb3: {  	[sflag:s29] =	ssyncadd.s32 $0xFFFFFFFF  }
0xb4: {  	_ =	strace $0x90000048  }
0xb5: {  	_ =	sfence  }
0xb6: {  	s30 =	sld [smem:$0x0];
	_ =	sdelay $0x2  }
0xb7: {  	s31 =	sshll.u32 s1, $0xD;
	s1 =	sshrl.u32 s1, $0x2  }
0xb8: {  	s3 =	sand.u32 $0x4000, s31;
	s1 =	sadd.s32 s1, s30  }
0xb9: {  	s0 =	sor.u32 s3, s0;
	s1 =	sshll.u32 s1, $0x11  }
0xba: {  	s0 =	sor.u32 s1, s0  }
0xbb: {  	s0 =	sadd.s32 $0x8F2B, s0  }
0xbc: {  	[sflag:s0] =	ssyncadd.remote.s32 $0x1  }
0xbd: {  	_ =	sfence.sel $0xFFFF  }
0xbe: {  	[dreg:$0x0] =	wrdreg $0xFFFFFFFF;
	(pc) =	sbr.abs _section_cstart, $3  }
0xbf: {  	[dreg:$0x1] =	wrdreg $0xFFFFFFFF  }
0xc0: {  	_ =	task.clear_ibuf [dreg:s6], $0x2FFFF;
	_ =	strace $0x9FFFFFFF  }
0xc1: {  	(tm) =	ssettm $0x7FFFFFFF  }
tec
execute0_lowered:
.L_overlay_start_1:
0x0: {  	(tag) =	ssettag $0x1  }
0x1: {  	s1 =	srdreg.scid;
	s0 =	stileid.u32  }
0x2: {  	s4 =	rddreg [dreg:$0x0];
	s2 =	simm.s32 $0x0;
	s8 =	simm.s32 $0x1  }
0x3: {  	s3 =	sand.u32 $0x1, s1;
	s5 =	sshll.u32 s0, $0x1;
	[smem:$0x7FF] =	sst s2  }
0x4: {  	s1 =	rddreg [dreg:$0x1];
	s5 =	sor.u32 s3, s5;
	_ =	strace $0x80000047  }
0x5: {  	s7 =	ssub.s32 $0x2, s3;
	s6 =	sshll.u32 s5, $0x6;
	s5 =	smul.u32 $0x680, s5  }
0x6: {  	s3 =	sadd.s32 $0x1600, s4;
	s31 =	sshrl.u32 s7, $0x1;
	s6 =	sadd.s32 s6, s4  }
0x7: {  	s7 =	ssub.s32 s7, s31;
	s5 =	sadd.s32 s5, s4;
	s4 =	sadd.s32 $0xE00, s6  }
0x8: {  	s6 =	smax.u32 s7, $0x1;
	s7 =	simm.s32 $0x200;
	s5 =	sadd.s32 $0x1E00, s5  }
.LBB2_1:
0x9: {  	[tilespmem:s7], [sflag:$0x1] =	stream.linear.gather [hbm4b:s3+s2], $0x3400, $0x38;
	[tilespmem:$0x3600] =	vst v63  }
0xa: {  	_ =	swait.ge [sflag:s8], $0x3400  }
0xb: {  	[sflag:s8] =	ssyncset.done $0x0  }
0xc: {  	[sflag:s8] =	ssyncadd.s32 $0xFFFFCC00  }
0xd: {  	[tilespmem:s2], [sflag:$0x1] =	stream.linear.gather [hbm4b:s4+s2], $0x200, $0x38;
	[tilespmem:$0x3600] =	vst v63  }
0xe: {  	_ =	swait.ge [sflag:s8], $0x200  }
0xf: {  	[sflag:s8] =	ssyncset.done $0x0  }
0x10: {  	[sflag:s8] =	ssyncadd.s32 $0xFFFFFE00  }
0x11: {  	v0 =	vld [tilespmem:$0x0];
	_ =	sdelay $0x4  }
0x12: {  	(xrf1) =	vunique.msk.u32 $0xffff, v0;
	_ =	sdelay $0xd  }
0x13: {  	_, v1, vm0 =	vpop (xrf1);
	_ =	sdelay $0x3  }
0x14: {  	v1 =	vcvt.s32.f32 v1;
	_ =	sdelay $0x1  }
0x15: {  	[tilespmem:v0+s7+$0x0] =	vst.idx.add.f32.msk vm0, v1  }
0x16: {  	v0 =	vld [tilespmem:$0x10];
	_ =	sdelay $0x4  }
0x17: {  	(xrf1) =	vunique.msk.u32 $0xffff, v0;
	_ =	sdelay $0xd  }
0x18: {  	_, v1, vm0 =	vpop (xrf1);
	_ =	sdelay $0x3  }
0x19: {  	v1 =	vcvt.s32.f32 v1;
	_ =	sdelay $0x1  }
0x1a: {  	[tilespmem:v0+s7+$0x0] =	vst.idx.add.f32.msk vm0, v1  }
0x1b: {  	v0 =	vld [tilespmem:$0x20];
	_ =	sdelay $0x4  }
0x1c: {  	(xrf1) =	vunique.msk.u32 $0xffff, v0;
	_ =	sdelay $0xd  }
0x1d: {  	_, v1, vm0 =	vpop (xrf1);
	_ =	sdelay $0x3  }
0x1e: {  	v1 =	vcvt.s32.f32 v1;
	_ =	sdelay $0x1  }
0x1f: {  	[tilespmem:v0+s7+$0x0] =	vst.idx.add.f32.msk vm0, v1  }
0x20: {  	v0 =	vld [tilespmem:$0x30];
	_ =	sdelay $0x4  }
0x21: {  	(xrf1) =	vunique.msk.u32 $0xffff, v0;
	_ =	sdelay $0xd  }
0x22: {  	_, v1, vm0 =	vpop (xrf1);
	_ =	sdelay $0x3  }
0x23: {  	v1 =	vcvt.s32.f32 v1;
	_ =	sdelay $0x1  }
0x24: {  	[tilespmem:v0+s7+$0x0] =	vst.idx.add.f32.msk vm0, v1  }
0x25: {  	v0 =	vld [tilespmem:$0x40];
	_ =	sdelay $0x4  }
0x26: {  	(xrf1) =	vunique.msk.u32 $0xffff, v0;
	_ =	sdelay $0xd  }
0x27: {  	_, v1, vm0 =	vpop (xrf1);
	_ =	sdelay $0x3  }
0x28: {  	v1 =	vcvt.s32.f32 v1;
	_ =	sdelay $0x1  }
0x29: {  	[tilespmem:v0+s7+$0x0] =	vst.idx.add.f32.msk vm0, v1  }
0x2a: {  	v0 =	vld [tilespmem:$0x50];
	_ =	sdelay $0x4  }
0x2b: {  	(xrf1) =	vunique.msk.u32 $0xffff, v0;
	_ =	sdelay $0xd  }
0x2c: {  	_, v1, vm0 =	vpop (xrf1);
	_ =	sdelay $0x3  }
0x2d: {  	v1 =	vcvt.s32.f32 v1;
	_ =	sdelay $0x1  }
0x2e: {  	[tilespmem:v0+s7+$0x0] =	vst.idx.add.f32.msk vm0, v1  }
0x2f: {  	v0 =	vld [tilespmem:$0x60];
	_ =	sdelay $0x4  }
0x30: {  	(xrf1) =	vunique.msk.u32 $0xffff, v0;
	_ =	sdelay $0xd  }
0x31: {  	_, v1, vm0 =	vpop (xrf1);
	_ =	sdelay $0x3  }
0x32: {  	v1 =	vcvt.s32.f32 v1;
	_ =	sdelay $0x1  }
0x33: {  	[tilespmem:v0+s7+$0x0] =	vst.idx.add.f32.msk vm0, v1  }
0x34: {  	v0 =	vld [tilespmem:$0x70];
	_ =	sdelay $0x4  }
0x35: {  	(xrf1) =	vunique.msk.u32 $0xffff, v0;
	_ =	sdelay $0xd  }
0x36: {  	_, v1, vm0 =	vpop (xrf1);
	_ =	sdelay $0x3  }
0x37: {  	v1 =	vcvt.s32.f32 v1;
	_ =	sdelay $0x1  }
0x38: {  	[tilespmem:v0+s7+$0x0] =	vst.idx.add.f32.msk vm0, v1  }
0x39: {  	v0 =	vld [tilespmem:$0x80];
	_ =	sdelay $0x4  }
0x3a: {  	(xrf1) =	vunique.msk.u32 $0xffff, v0;
	_ =	sdelay $0xd  }
0x3b: {  	_, v1, vm0 =	vpop (xrf1);
	_ =	sdelay $0x3  }
0x3c: {  	v1 =	vcvt.s32.f32 v1;
	_ =	sdelay $0x1  }
0x3d: {  	[tilespmem:v0+s7+$0x0] =	vst.idx.add.f32.msk vm0, v1  }
0x3e: {  	v0 =	vld [tilespmem:$0x90];
	_ =	sdelay $0x4  }
0x3f: {  	(xrf1) =	vunique.msk.u32 $0xffff, v0;
	_ =	sdelay $0xd  }
0x40: {  	_, v1, vm0 =	vpop (xrf1);
	_ =	sdelay $0x3  }
0x41: {  	v1 =	vcvt.s32.f32 v1;
	_ =	sdelay $0x1  }
0x42: {  	[tilespmem:v0+s7+$0x0] =	vst.idx.add.f32.msk vm0, v1  }
0x43: {  	v0 =	vld [tilespmem:$0xA0];
	_ =	sdelay $0x4  }
0x44: {  	(xrf1) =	vunique.msk.u32 $0xffff, v0;
	_ =	sdelay $0xd  }
0x45: {  	_, v1, vm0 =	vpop (xrf1);
	_ =	sdelay $0x3  }
0x46: {  	v1 =	vcvt.s32.f32 v1;
	_ =	sdelay $0x1  }
0x47: {  	[tilespmem:v0+s7+$0x0] =	vst.idx.add.f32.msk vm0, v1  }
0x48: {  	v0 =	vld [tilespmem:$0xB0];
	_ =	sdelay $0x4  }
0x49: {  	(xrf1) =	vunique.msk.u32 $0xffff, v0;
	_ =	sdelay $0xd  }
0x4a: {  	_, v1, vm0 =	vpop (xrf1);
	_ =	sdelay $0x3  }
0x4b: {  	v1 =	vcvt.s32.f32 v1;
	_ =	sdelay $0x1  }
0x4c: {  	[tilespmem:v0+s7+$0x0] =	vst.idx.add.f32.msk vm0, v1  }
0x4d: {  	v0 =	vld [tilespmem:$0xC0];
	_ =	sdelay $0x4  }
0x4e: {  	(xrf1) =	vunique.msk.u32 $0xffff, v0;
	_ =	sdelay $0xd  }
0x4f: {  	_, v1, vm0 =	vpop (xrf1);
	_ =	sdelay $0x3  }
0x50: {  	v1 =	vcvt.s32.f32 v1;
	_ =	sdelay $0x1  }
0x51: {  	[tilespmem:v0+s7+$0x0] =	vst.idx.add.f32.msk vm0, v1  }
0x52: {  	v0 =	vld [tilespmem:$0xD0];
	_ =	sdelay $0x4  }
0x53: {  	(xrf1) =	vunique.msk.u32 $0xffff, v0;
	_ =	sdelay $0xd  }
0x54: {  	_, v1, vm0 =	vpop (xrf1);
	_ =	sdelay $0x3  }
0x55: {  	v1 =	vcvt.s32.f32 v1;
	_ =	sdelay $0x1  }
0x56: {  	[tilespmem:v0+s7+$0x0] =	vst.idx.add.f32.msk vm0, v1  }
0x57: {  	v0 =	vld [tilespmem:$0xE0];
	_ =	sdelay $0x4  }
0x58: {  	(xrf1) =	vunique.msk.u32 $0xffff, v0;
	_ =	sdelay $0xd  }
0x59: {  	_, v1, vm0 =	vpop (xrf1);
	_ =	sdelay $0x3  }
0x5a: {  	v1 =	vcvt.s32.f32 v1;
	_ =	sdelay $0x1  }
0x5b: {  	[tilespmem:v0+s7+$0x0] =	vst.idx.add.f32.msk vm0, v1  }
0x5c: {  	v0 =	vld [tilespmem:$0xF0];
	_ =	sdelay $0x4  }
0x5d: {  	(xrf1) =	vunique.msk.u32 $0xffff, v0;
	_ =	sdelay $0xd  }
0x5e: {  	_, v1, vm0 =	vpop (xrf1);
	_ =	sdelay $0x3  }
0x5f: {  	v1 =	vcvt.s32.f32 v1;
	_ =	sdelay $0x1  }
0x60: {  	[tilespmem:v0+s7+$0x0] =	vst.idx.add.f32.msk vm0, v1  }
0x61: {  	v0 =	vld [tilespmem:$0x100];
	_ =	sdelay $0x4  }
0x62: {  	(xrf1) =	vunique.msk.u32 $0xffff, v0;
	_ =	sdelay $0xd  }
0x63: {  	_, v1, vm0 =	vpop (xrf1);
	_ =	sdelay $0x3  }
0x64: {  	v1 =	vcvt.s32.f32 v1;
	_ =	sdelay $0x1  }
0x65: {  	[tilespmem:v0+s7+$0x0] =	vst.idx.add.f32.msk vm0, v1  }
0x66: {  	v0 =	vld [tilespmem:$0x110];
	_ =	sdelay $0x4  }
0x67: {  	(xrf1) =	vunique.msk.u32 $0xffff, v0;
	_ =	sdelay $0xd  }
0x68: {  	_, v1, vm0 =	vpop (xrf1);
	_ =	sdelay $0x3  }
0x69: {  	v1 =	vcvt.s32.f32 v1;
	_ =	sdelay $0x1  }
0x6a: {  	[tilespmem:v0+s7+$0x0] =	vst.idx.add.f32.msk vm0, v1  }
0x6b: {  	v0 =	vld [tilespmem:$0x120];
	_ =	sdelay $0x4  }
0x6c: {  	(xrf1) =	vunique.msk.u32 $0xffff, v0;
	_ =	sdelay $0xd  }
0x6d: {  	_, v1, vm0 =	vpop (xrf1);
	_ =	sdelay $0x3  }
0x6e: {  	v1 =	vcvt.s32.f32 v1;
	_ =	sdelay $0x1  }
0x6f: {  	[tilespmem:v0+s7+$0x0] =	vst.idx.add.f32.msk vm0, v1  }
0x70: {  	v0 =	vld [tilespmem:$0x130];
	_ =	sdelay $0x4  }
0x71: {  	(xrf1) =	vunique.msk.u32 $0xffff, v0;
	_ =	sdelay $0xd  }
0x72: {  	_, v1, vm0 =	vpop (xrf1);
	_ =	sdelay $0x3  }
0x73: {  	v1 =	vcvt.s32.f32 v1;
	_ =	sdelay $0x1  }
0x74: {  	[tilespmem:v0+s7+$0x0] =	vst.idx.add.f32.msk vm0, v1  }
0x75: {  	v0 =	vld [tilespmem:$0x140];
	_ =	sdelay $0x4  }
0x76: {  	(xrf1) =	vunique.msk.u32 $0xffff, v0;
	_ =	sdelay $0xd  }
0x77: {  	_, v1, vm0 =	vpop (xrf1);
	_ =	sdelay $0x3  }
0x78: {  	v1 =	vcvt.s32.f32 v1;
	_ =	sdelay $0x1  }
0x79: {  	[tilespmem:v0+s7+$0x0] =	vst.idx.add.f32.msk vm0, v1  }
0x7a: {  	v0 =	vld [tilespmem:$0x150];
	_ =	sdelay $0x4  }
0x7b: {  	(xrf1) =	vunique.msk.u32 $0xffff, v0;
	_ =	sdelay $0xd  }
0x7c: {  	_, v1, vm0 =	vpop (xrf1);
	_ =	sdelay $0x3  }
0x7d: {  	v1 =	vcvt.s32.f32 v1;
	_ =	sdelay $0x1  }
0x7e: {  	[tilespmem:v0+s7+$0x0] =	vst.idx.add.f32.msk vm0, v1  }
0x7f: {  	v0 =	vld [tilespmem:$0x160];
	_ =	sdelay $0x4  }
0x80: {  	(xrf1) =	vunique.msk.u32 $0xffff, v0;
	_ =	sdelay $0xd  }
0x81: {  	_, v1, vm0 =	vpop (xrf1);
	_ =	sdelay $0x3  }
0x82: {  	v1 =	vcvt.s32.f32 v1;
	_ =	sdelay $0x1  }
0x83: {  	[tilespmem:v0+s7+$0x0] =	vst.idx.add.f32.msk vm0, v1  }
0x84: {  	v0 =	vld [tilespmem:$0x170];
	_ =	sdelay $0x4  }
0x85: {  	(xrf1) =	vunique.msk.u32 $0xffff, v0;
	_ =	sdelay $0xd  }
0x86: {  	_, v1, vm0 =	vpop (xrf1);
	_ =	sdelay $0x3  }
0x87: {  	v1 =	vcvt.s32.f32 v1;
	_ =	sdelay $0x1  }
0x88: {  	[tilespmem:v0+s7+$0x0] =	vst.idx.add.f32.msk vm0, v1  }
0x89: {  	v0 =	vld [tilespmem:$0x180];
	_ =	sdelay $0x4  }
0x8a: {  	(xrf1) =	vunique.msk.u32 $0xffff, v0;
	_ =	sdelay $0xd  }
0x8b: {  	_, v1, vm0 =	vpop (xrf1);
	_ =	sdelay $0x3  }
0x8c: {  	v1 =	vcvt.s32.f32 v1;
	_ =	sdelay $0x1  }
0x8d: {  	[tilespmem:v0+s7+$0x0] =	vst.idx.add.f32.msk vm0, v1  }
0x8e: {  	v0 =	vld [tilespmem:$0x190];
	_ =	sdelay $0x4  }
0x8f: {  	(xrf1) =	vunique.msk.u32 $0xffff, v0;
	_ =	sdelay $0xd  }
0x90: {  	_, v1, vm0 =	vpop (xrf1);
	_ =	sdelay $0x3  }
0x91: {  	v1 =	vcvt.s32.f32 v1;
	_ =	sdelay $0x1  }
0x92: {  	[tilespmem:v0+s7+$0x0] =	vst.idx.add.f32.msk vm0, v1  }
0x93: {  	v0 =	vld [tilespmem:$0x1A0];
	_ =	sdelay $0x4  }
0x94: {  	(xrf1) =	vunique.msk.u32 $0xffff, v0;
	_ =	sdelay $0xd  }
0x95: {  	_, v1, vm0 =	vpop (xrf1);
	_ =	sdelay $0x3  }
0x96: {  	v1 =	vcvt.s32.f32 v1;
	_ =	sdelay $0x1  }
0x97: {  	[tilespmem:v0+s7+$0x0] =	vst.idx.add.f32.msk vm0, v1  }
0x98: {  	v0 =	vld [tilespmem:$0x1B0];
	_ =	sdelay $0x4  }
0x99: {  	(xrf1) =	vunique.msk.u32 $0xffff, v0;
	_ =	sdelay $0xd  }
0x9a: {  	_, v1, vm0 =	vpop (xrf1);
	_ =	sdelay $0x3  }
0x9b: {  	v1 =	vcvt.s32.f32 v1;
	_ =	sdelay $0x1  }
0x9c: {  	[tilespmem:v0+s7+$0x0] =	vst.idx.add.f32.msk vm0, v1  }
0x9d: {  	v0 =	vld [tilespmem:$0x1C0];
	_ =	sdelay $0x4  }
0x9e: {  	(xrf1) =	vunique.msk.u32 $0xffff, v0;
	_ =	sdelay $0xd  }
0x9f: {  	_, v1, vm0 =	vpop (xrf1);
	_ =	sdelay $0x3  }
0xa0: {  	v1 =	vcvt.s32.f32 v1;
	_ =	sdelay $0x1  }
0xa1: {  	[tilespmem:v0+s7+$0x0] =	vst.idx.add.f32.msk vm0, v1  }
0xa2: {  	v0 =	vld [tilespmem:$0x1D0];
	_ =	sdelay $0x4  }
0xa3: {  	(xrf1) =	vunique.msk.u32 $0xffff, v0;
	_ =	sdelay $0xd  }
0xa4: {  	_, v1, vm0 =	vpop (xrf1);
	_ =	sdelay $0x3  }
0xa5: {  	v1 =	vcvt.s32.f32 v1;
	_ =	sdelay $0x1  }
0xa6: {  	[tilespmem:v0+s7+$0x0] =	vst.idx.add.f32.msk vm0, v1  }
0xa7: {  	v0 =	vld [tilespmem:$0x1E0];
	_ =	sdelay $0x4  }
0xa8: {  	(xrf1) =	vunique.msk.u32 $0xffff, v0;
	_ =	sdelay $0xd  }
0xa9: {  	_, v1, vm0 =	vpop (xrf1);
	_ =	sdelay $0x3  }
0xaa: {  	v1 =	vcvt.s32.f32 v1;
	_ =	sdelay $0x1  }
0xab: {  	[tilespmem:v0+s7+$0x0] =	vst.idx.add.f32.msk vm0, v1  }
0xac: {  	v0 =	vld [tilespmem:$0x1F0];
	_ =	sdelay $0x4  }
0xad: {  	(xrf1) =	vunique.msk.u32 $0xffff, v0;
	_ =	sdelay $0xd  }
0xae: {  	_, v1, vm0 =	vpop (xrf1);
	_ =	sdelay $0x3  }
0xaf: {  	v1 =	vcvt.s32.f32 v1  }
0xb0: {  	p0 =	sne.s32 s6, $0x1  }
.Ltmp0:
0xb1: {  	[tilespmem:v0+s7+$0x0] =	vst.idx.add.f32.msk vm0, v1;
	(pc) =	sbr.rel @p0 .LBB2_1-.Ltmp0, $4  }
0xb2: {  	[hbm4b:s5+s2] =	stream.linear.scatter [tilespmem:s7], [sflag:$0x1], $0x3400, $0x38;
	[tilespmem:$0x3600] =	vst v63  }
0xb3: {  	_ =	swait.ge [sflag:s8], $0x3400  }
0xb4: {  	[sflag:s8] =	ssyncset.done $0x0  }
0xb5: {  	s6 =	sadd.s32 $0xFFFFFFFF, s6;
	[sflag:s8] =	ssyncadd.s32 $0xFFFFCC00  }
0xb6: {  	_ =	sfence.sel $0x180000  }
0xb7: {  	[bflag:$0x0] =	sbarrier.arrive $0xFFFF  }
0xb8: {  	p0 =	sne.s32 s0, $0x0;
	_ =	strace $0x90000047  }
0xb9: {  	s0 =	sadd.s32 @!p0 $0x100000, s1;
	[bflag:$0x2] =	sbarrier.arrive $0xFFFF  }
0xba: {  	[sflag:s0] =	ssyncadd.tile.s32 @!p0 $0x1;
	_ =	shalt  }
.Lfunc_end2:
_tile_overlayer_lowered:
.L_overlay_start_2:
0xbb: {  	(tag) =	ssettag $0x2  }
0xbc: {  	s0 =	rddreg [dreg:$0x0];
	s2 =	stileid.u32  }
0xbd: {  	s1 =	rddreg [dreg:$0x1];
	p0 =	sne.s32 s2, $0x0  }
0xbe: {  	s3 =	rddreg [dreg:$0x2];
	[bflag:$0x3] =	sbarrier.arrive $0xFFFF;
	s2 =	simm.s32 @!p0 $0x1C01  }
0xbf: {  	[timem:s3], [sflag:s2] =	dma.local @!p0 [hbm:s0], s1  }
0xc0: {  	s0 =	simm.s32 @!p0 $0x1  }
0xc1: {  	_ =	swait.ge @!p0 [sflag:s0], s1  }
0xc2: {  	s1 =	ssub.s32 @!p0 $0x0, s1;
	[sflag:s0] =	ssyncset.done @!p0 $0x0  }
0xc3: {  	[sflag:s0] =	ssyncadd.s32 @!p0 s1  }
0xc4: {  	[bflag:$0x3] =	sbarrier.arrive $0xFFFF  }
0xc5: {  	_ =	shalt  }

</sc_bundles>
